<compile_context>
chip_gen: v7x
topology: tpu7x:2x2x1
jax: 0.10.2.dev20260603
libtpu: 0.0.44.dev20260713+nightly
codegen_flags: <defaults>
</compile_context>

<pallas_src>
import functools

import jax
import jax.numpy as jnp
from jax import lax
from jax.experimental import pallas as pl
from jax.experimental.pallas import tpu as pltpu
from jax.experimental.pallas import tpu_sc as plsc

NUM = 16
H = 1024
W = 1024
HSC = 512
NBINS = NUM * NUM

_info = plsc.get_sparse_core_info()
NC, NS, L = _info.num_cores, _info.num_subcores, _info.num_lanes
NW = NC * NS
RPW = HSC // NW
VPR = W // 16
VPR_LOG2 = 6
NCH = 2
CR = RPW // NCH
UNROLL = 8

TBR = 128
TGRID = (H - HSC) // TBR
TSUB = TBR // NUM


def _sc_hist_kernel(pred_hbm, true_hbm, hist_out,
                    pbuf0, tbuf0, pbuf1, tbuf1, hacc, rowbuf,
                    sp0, st0, sp1, st1):
    wid = lax.axis_index("s") * NC + lax.axis_index("c")
    pbufs, tbufs = (pbuf0, pbuf1), (tbuf0, tbuf1)
    sems = ((sp0, st0), (sp1, st1))

    def start(k, slot):
        row = wid * RPW + k * CR
        hp = pltpu.async_copy(pred_hbm.at[pl.ds(row, CR)], pbufs[slot],
                              sems[slot][0])
        ht = pltpu.async_copy(true_hbm.at[pl.ds(row, CR)], tbufs[slot],
                              sems[slot][1])
        return hp, ht

    inflight = [None, None]
    inflight[0] = start(0, 0)

    zero16 = jnp.zeros((L,), jnp.float32)

    def zbody(i, _):
        hacc[pl.ds(pl.multiple_of(i * L, L), L)] = zero16
        return 0
    lax.fori_loop(0, (L * NBINS) // L, zbody, 0)

    lane_offs = lax.iota(jnp.int32, L) * NBINS
    ones = jnp.ones((L,), jnp.float32)

    for k in range(NCH):
        slot = k % 2
        if k + 1 < NCH:
            inflight[1 - slot] = start(k + 1, 1 - slot)
        hp, ht = inflight[slot]
        hp.wait()
        ht.wait()
        pb, tb = pbufs[slot], tbufs[slot]

        @plsc.parallel_loop(0, (CR * W) // L, 1, unroll=UNROLL)
        def body(i, pb=pb, tb=tb):
            r = i >> VPR_LOG2
            c = pl.multiple_of((i & (VPR - 1)) * L, L)
            p = pb[r, pl.ds(c, L)]
            t = tb[r, pl.ds(c, L)]
            comb = (p * 16.0 + t).astype(jnp.int32) + lane_offs
            plsc.addupdate_scatter(hacc, [comb], ones)

    for c in range(NBINS // L):
        def mbody(l, acc, c=c):
            return acc + hacc[pl.ds(pl.multiple_of(l * NBINS + c * L, L), L)]
        rowbuf[pl.ds(c * L, L)] = lax.fori_loop(0, L, mbody, zero16)

    pltpu.sync_copy(rowbuf, hist_out.at[wid])


_sc_hist = functools.partial(
    pl.kernel,
    mesh=plsc.VectorSubcoreMesh(core_axis_name="c", subcore_axis_name="s"),
    out_type=jax.ShapeDtypeStruct((NW, NBINS), jnp.float32),
    scratch_types=[pltpu.VMEM((CR, W), jnp.float32),
                   pltpu.VMEM((CR, W), jnp.float32),
                   pltpu.VMEM((CR, W), jnp.float32),
                   pltpu.VMEM((CR, W), jnp.float32),
                   pltpu.VMEM((L * NBINS,), jnp.float32),
                   pltpu.VMEM((NBINS,), jnp.float32),
                   pltpu.SemaphoreType.DMA,
                   pltpu.SemaphoreType.DMA,
                   pltpu.SemaphoreType.DMA,
                   pltpu.SemaphoreType.DMA],
    compiler_params=pltpu.CompilerParams(needs_layout_passes=False),
)(_sc_hist_kernel)


def _tc_hist_kernel(pred_ref, true_ref, out_ref, acc_ref):
    step = pl.program_id(0)

    @pl.when(step == 0)
    def _init():
        acc_ref[...] = jnp.zeros_like(acc_ref)

    p = pred_ref[...]
    t = true_ref[...]

    ids = (jax.lax.broadcasted_iota(jnp.int32, (NUM * NUM, W), 0)
           & (NUM - 1)).astype(jnp.float32)
    r = jnp.zeros((NUM * NUM, NUM * NUM), jnp.float32)
    for u in range(TSUB):
        ps = p[u * NUM:(u + 1) * NUM, :]
        ts = t[u * NUM:(u + 1) * NUM, :]
        pr = jnp.broadcast_to(ps[:, None, :],
                              (NUM, NUM, W)).reshape(NUM * NUM, W)
        tr = jnp.broadcast_to(ts[:, None, :],
                              (NUM, NUM, W)).reshape(NUM * NUM, W)
        ap = (pr == ids).astype(jnp.bfloat16)
        at = (tr == ids).astype(jnp.bfloat16)
        r = r + jax.lax.dot_general(ap, at, (((1,), (1,)), ((), ())),
                                    preferred_element_type=jnp.float32)
    acc_ref[...] += r

    @pl.when(step == TGRID - 1)
    def _fin():
        rm = acc_ref[...]
        s0 = jax.lax.broadcasted_iota(jnp.int32, (NBINS, NBINS), 0)
        s1 = jax.lax.broadcasted_iota(jnp.int32, (NBINS, NBINS), 1)
        rm = jnp.where((s0 >> 4) == (s1 >> 4), rm, 0.0)
        e0 = jax.lax.broadcasted_iota(jnp.int32, (NBINS, NUM), 0)
        e1 = jax.lax.broadcasted_iota(jnp.int32, (NBINS, NUM), 1)
        e = ((e0 & (NUM - 1)) == e1).astype(jnp.float32)
        re = jax.lax.dot_general(rm, e, (((1,), (0,)), ((), ())),
                                 preferred_element_type=jnp.float32)
        out_ref[...] = jax.lax.dot_general(e, re, (((0,), (0,)), ((), ())),
                                           preferred_element_type=jnp.float32)


def _tc_epilogue_kernel(hist_ref, jtc_ref, out_ref):
    h = hist_ref[...]
    flat = jnp.sum(h, axis=0, keepdims=True)

    bi = jax.lax.broadcasted_iota(jnp.int32, (NUM, NBINS), 0)
    bm = jax.lax.broadcasted_iota(jnp.int32, (NUM, NBINS), 1)
    d = jnp.where((bm >> 4) == bi, flat, 0.0)
    cm = jax.lax.broadcasted_iota(jnp.int32, (NBINS, NUM), 0)
    cj = jax.lax.broadcasted_iota(jnp.int32, (NBINS, NUM), 1)
    c = ((cm & (NUM - 1)) == cj).astype(jnp.float32)
    j = jax.lax.dot_general(d, c, (((1,), (0,)), ((), ())),
                            preferred_element_type=jnp.float32)
    j = j + jtc_ref[...]

    ri = jax.lax.broadcasted_iota(jnp.int32, (NUM, NUM), 0)
    ci = jax.lax.broadcasted_iota(jnp.int32, (NUM, NUM), 1)
    df = (ri - ci).astype(jnp.float32)
    mse_sum = jnp.sum(j * df * df)
    valid = (ri >= 1) & (ci >= 1)
    inter = jnp.where(valid, j, 0.0)
    pc = jnp.sum(j, axis=1, keepdims=True)
    tc = jnp.sum(j, axis=0, keepdims=True)
    union = pc + tc - inter
    iou = jnp.where(valid & (union != 0.0),
                    inter / jnp.maximum(union, 1e-12), 0.0)
    max_p = jnp.max(iou, axis=1, keepdims=True)
    max_t = jnp.max(iou, axis=0, keepdims=True)
    rv = (jax.lax.broadcasted_iota(jnp.int32, (NUM, 1), 0) >= 1) & (pc > 0)
    cv = (jax.lax.broadcasted_iota(jnp.int32, (1, NUM), 1) >= 1) & (tc > 0)
    loss_p = jnp.sum(jnp.where(rv, 1.0 - max_p, 0.0))
    loss_t = jnp.sum(jnp.where(cv, 1.0 - max_t, 0.0))
    ninst = (jnp.sum(rv.astype(jnp.float32))
             + jnp.sum(cv.astype(jnp.float32)))
    total = mse_sum / (H * W) / 1000.0 + loss_p + loss_t
    out_ref[...] = jnp.reshape(jnp.where(ninst == 0.0, 0.0, total), (1, 1))


def kernel(pred_mask, true_mask):
    hist = _sc_hist(pred_mask, true_mask)
    off = HSC // TBR
    jtc = pl.pallas_call(
        _tc_hist_kernel,
        grid=(TGRID,),
        in_specs=[pl.BlockSpec((TBR, W), lambda i: (i + off, 0)),
                  pl.BlockSpec((TBR, W), lambda i: (i + off, 0))],
        out_specs=pl.BlockSpec((NUM, NUM), lambda i: (0, 0)),
        out_shape=jax.ShapeDtypeStruct((NUM, NUM), jnp.float32),
        scratch_shapes=[pltpu.VMEM((NBINS, NBINS), jnp.float32)],
    )(pred_mask, true_mask)
    out = pl.pallas_call(
        _tc_epilogue_kernel,
        out_shape=jax.ShapeDtypeStruct((1, 1), jnp.float32),
    )(hist, jtc)
    return out[0, 0]

# --- scband reference (transcript-rebuilt; emitter-appended) ---
"""Pipeline reference for scband-instance-segmentation-loss-67362267070604 (READ-ONLY COPY).

The authoritative reference and input builder live on the scoring server;
editing this copy changes nothing except your own understanding.
"""

import jax, jax.numpy as jnp
import numpy as np

NUM_IDS = 16  # instance ids in [0, NUM_IDS); id 0 is background and is skipped
H, W = 1024, 1024


def setup_inputs(seed: int = 0) -> dict:
    key = jax.random.key(seed)
    k1, k2 = jax.random.split(key)
    pred_mask = jax.random.randint(k1, (H, W), 0, NUM_IDS).astype(jnp.float32)
    true_mask = jax.random.randint(k2, (H, W), 0, NUM_IDS).astype(jnp.float32)
    return {"pred_mask": pred_mask, "true_mask": true_mask}


def _instance_loss(pred_mask, true_mask):
    # total_loss starts as MSE(pred, true) / 1000 (computed on the raw float masks)
    mse = jnp.mean((pred_mask - true_mask) ** 2)
    total = mse / 1000.0

    # convert_mask_to_binary_masks: mask.to(torch.int8), one binary mask per
    # unique nonzero instance id. Comparisons are non-differentiable in torch,
    # so we stop_gradient here for exact parity.
    p = jax.lax.stop_gradient(pred_mask).astype(jnp.int8).reshape(-1)
    t = jax.lax.stop_gradient(true_mask).astype(jnp.int8).reshape(-1)
    ids = jnp.arange(1, NUM_IDS, dtype=jnp.int8)  # skip background id 0
    P = (p[None, :] == ids[:, None])  # [NUM_IDS-1, H*W] bool, pred binary masks
    T = (t[None, :] == ids[:, None])  # [NUM_IDS-1, H*W] bool, true binary masks

    Pf = P.astype(jnp.float32)
    Tf = T.astype(jnp.float32)
    pc = Pf.sum(axis=1)  # |pred_i|
    tc = Tf.sum(axis=1)  # |true_j|

    # intersection[i, j] = logical_and(P_i, T_j).sum(); union via inclusion-exclusion
    inter = Pf @ Tf.T
    union = pc[:, None] + tc[None, :] - inter
    # calculate_iou: returns 0 when union == 0
    iou = jnp.where(union == 0, 0.0, inter / jnp.maximum(union, 1e-12))

    # torch.unique only yields ids that actually appear; absent ids are skipped.
    pred_present = pc > 0
    true_present = tc > 0

    # max_iou starts at 0 in the torch loops; iou >= 0 and absent counterparts
    # contribute iou == 0, so a plain max over all ids matches the torch result.
    max_iou_p = jnp.max(iou, axis=1)  # best true match per pred instance
    max_iou_t = jnp.max(iou, axis=0)  # best pred match per true instance

    total = total + jnp.sum(jnp.where(pred_present, 1.0 - max_iou_p, 0.0))
    total = total + jnp.sum(jnp.where(true_present, 1.0 - max_iou_t, 0.0))

    num_instances = pred_present.sum() + true_present.sum()
    return jnp.where(num_instances == 0, jnp.float32(0.0), total)


def reference(pred_mask, true_mask):
    return _instance_loss(pred_mask, true_mask)

if __name__ == "__main__":
    import jax
    _d = setup_inputs()
    print(jax.jit(kernel)(*tuple(_d.values())))

</pallas_src>

<mosaic_0001>
#map = affine_map<(d0, d1) -> (0, 0)>
module attributes {stable_mosaic.version = 14 : i64} {
  func.func @_sc_hist_kernel(%arg0: i32, %arg1: i32, %arg2: memref<1024x1024xf32, #tpu.memory_space<hbm>>, %arg3: memref<1024x1024xf32, #tpu.memory_space<hbm>>, %arg4: memref<32x256xf32, #tpu.memory_space<hbm>>, %arg5: memref<8x1024xf32, #tpu.memory_space<vmem>>, %arg6: memref<8x1024xf32, #tpu.memory_space<vmem>>, %arg7: memref<8x1024xf32, #tpu.memory_space<vmem>>, %arg8: memref<8x1024xf32, #tpu.memory_space<vmem>>, %arg9: memref<4096xf32, #tpu.memory_space<vmem>>, %arg10: memref<256xf32, #tpu.memory_space<vmem>>, %arg11: memref<!tpu.dma_semaphore, #tpu.memory_space<semaphore_mem>>, %arg12: memref<!tpu.dma_semaphore, #tpu.memory_space<semaphore_mem>>, %arg13: memref<!tpu.dma_semaphore, #tpu.memory_space<semaphore_mem>>, %arg14: memref<!tpu.dma_semaphore, #tpu.memory_space<semaphore_mem>>) attributes {dimension_semantics = [#tpu.dimension_semantics<core_parallel>, #tpu.dimension_semantics<subcore_parallel>], iteration_bounds = array<i64: 2, 16>, scalar_prefetch = 0 : i64, scratch_operands = 10 : i64, tpu.core_type = #tpu.core_type<sc_vector_subcore>, window_params = [{transform_indices = #map}, {transform_indices = #map}, {transform_indices = #map}]} {
    %mul3A = arith.constant 2 : i32
    %mul3A_0 = arith.muli %arg1, %mul3A : i32
    %add3A = arith.addi %mul3A_0, %arg0 : i32
    %mul3A_1 = arith.constant 16 : i32
    %mul3A_2 = arith.muli %add3A, %mul3A_1 : i32
    %add3A_3 = arith.constant 0 : i32
    %add3A_4 = arith.addi %mul3A_2, %add3A_3 : i32
    %dma_start3A = arith.constant 0 : i32
    %dma_start3A_5 = tpu.memref_slice %arg2[%add3A_4, %dma_start3A] : memref<1024x1024xf32, #tpu.memory_space<hbm>> -> memref<8x1024xf32, #tpu.memory_space<hbm>>
    %dma_start3A_6 = arith.constant 0 : i32
    %dma_start3A_7 = tpu.memref_slice %arg2[%add3A_4, %dma_start3A_6] : memref<1024x1024xf32, #tpu.memory_space<hbm>> -> memref<8x1024xf32, #tpu.memory_space<hbm>>
    tpu.enqueue_dma source(%dma_start3A_7 : memref<8x1024xf32, #tpu.memory_space<hbm>>) target(%arg5 : memref<8x1024xf32, #tpu.memory_space<vmem>>) target_semaphore(%arg11 : memref<!tpu.dma_semaphore, #tpu.memory_space<semaphore_mem>>)
    %dma_start3A_8 = arith.constant 0 : i32
    %dma_start3A_9 = tpu.memref_slice %arg3[%add3A_4, %dma_start3A_8] : memref<1024x1024xf32, #tpu.memory_space<hbm>> -> memref<8x1024xf32, #tpu.memory_space<hbm>>
    %dma_start3A_10 = arith.constant 0 : i32
    %dma_start3A_11 = tpu.memref_slice %arg3[%add3A_4, %dma_start3A_10] : memref<1024x1024xf32, #tpu.memory_space<hbm>> -> memref<8x1024xf32, #tpu.memory_space<hbm>>
    tpu.enqueue_dma source(%dma_start3A_11 : memref<8x1024xf32, #tpu.memory_space<hbm>>) target(%arg6 : memref<8x1024xf32, #tpu.memory_space<vmem>>) target_semaphore(%arg12 : memref<!tpu.dma_semaphore, #tpu.memory_space<semaphore_mem>>)
    %broadcast_in_dim3A = arith.constant 0.000000e+00 : f32
    %broadcast_in_dim3A_12 = vector.broadcast %broadcast_in_dim3A : f32 to vector<16xf32>
    %scan3A = arith.constant 0 : i32
    %scan3A_13 = arith.constant 0 : i32
    %scan3A_14 = arith.constant 256 : i32
    %scan3A_15 = arith.addi %scan3A_13, %scan3A_14 : i32
    %scan3A_16 = arith.constant 1 : i32
    %scan3A_17 = scf.for %scan3A_183 = %scan3A_13 to %scan3A_15 step %scan3A_16 iter_args(%scan3A_184 = %scan3A) -> (i32)  : i32 {
      %mul3A_185 = arith.constant 16 : i32
      %mul3A_186 = arith.muli %scan3A_183, %mul3A_185 : i32
      %multiple_of3A = tpu.assume_multiple %mul3A_186, 16 : i32
      %swap3A_187 = arith.index_cast %multiple_of3A : i32 to index
      %swap3A_188 = tpu.vector_load %arg9[%swap3A_187] {strides = array<i32>} : memref<4096xf32, #tpu.memory_space<vmem>>, vector<16xf32>,
      tpu.vector_store %arg9[%swap3A_187], %broadcast_in_dim3A_12 {strides = array<i32>} : memref<4096xf32, #tpu.memory_space<vmem>>, vector<16xf32>,
      %scan3A_189 = arith.constant 0 : i32
      scf.yield %scan3A_189 : i32
    }
    %scan3A_18 = arith.constant 256 : i32
    %iota3A = tpu.iota {dimensions = array<i32: 0>} : vector<16xi32>
    %mul3A_19 = arith.constant 256 : i32
    %mul3A_20 = vector.broadcast %mul3A_19 : i32 to vector<16xi32>
    %mul3A_21 = arith.muli %iota3A, %mul3A_20 : vector<16xi32>
    %broadcast_in_dim3A_22 = arith.constant 1.000000e+00 : f32
    %broadcast_in_dim3A_23 = vector.broadcast %broadcast_in_dim3A_22 : f32 to vector<16xf32>
    %mul3A_24 = arith.constant 16 : i32
    %mul3A_25 = arith.muli %add3A, %mul3A_24 : i32
    %add3A_26 = arith.constant 8 : i32
    %add3A_27 = arith.addi %mul3A_25, %add3A_26 : i32
    %dma_start3A_28 = arith.constant 0 : i32
    %dma_start3A_29 = tpu.memref_slice %arg2[%add3A_27, %dma_start3A_28] : memref<1024x1024xf32, #tpu.memory_space<hbm>> -> memref<8x1024xf32, #tpu.memory_space<hbm>>
    %dma_start3A_30 = arith.constant 0 : i32
    %dma_start3A_31 = tpu.memref_slice %arg2[%add3A_27, %dma_start3A_30] : memref<1024x1024xf32, #tpu.memory_space<hbm>> -> memref<8x1024xf32, #tpu.memory_space<hbm>>
    tpu.enqueue_dma source(%dma_start3A_31 : memref<8x1024xf32, #tpu.memory_space<hbm>>) target(%arg7 : memref<8x1024xf32, #tpu.memory_space<vmem>>) target_semaphore(%arg13 : memref<!tpu.dma_semaphore, #tpu.memory_space<semaphore_mem>>)
    %dma_start3A_32 = arith.constant 0 : i32
    %dma_start3A_33 = tpu.memref_slice %arg3[%add3A_27, %dma_start3A_32] : memref<1024x1024xf32, #tpu.memory_space<hbm>> -> memref<8x1024xf32, #tpu.memory_space<hbm>>
    %dma_start3A_34 = arith.constant 0 : i32
    %dma_start3A_35 = tpu.memref_slice %arg3[%add3A_27, %dma_start3A_34] : memref<1024x1024xf32, #tpu.memory_space<hbm>> -> memref<8x1024xf32, #tpu.memory_space<hbm>>
    tpu.enqueue_dma source(%dma_start3A_35 : memref<8x1024xf32, #tpu.memory_space<hbm>>) target(%arg8 : memref<8x1024xf32, #tpu.memory_space<vmem>>) target_semaphore(%arg14 : memref<!tpu.dma_semaphore, #tpu.memory_space<semaphore_mem>>)
    %dma_wait3A = arith.constant 0 : i32
    %dma_wait3A_36 = tpu.memref_slice %arg2[%add3A_4, %dma_wait3A] : memref<1024x1024xf32, #tpu.memory_space<hbm>> -> memref<8x1024xf32, #tpu.memory_space<hbm>>
    %dma_wait3A_37 = arith.constant 0 : i32
    %dma_wait3A_38 = tpu.memref_slice %arg2[%add3A_4, %dma_wait3A_37] : memref<1024x1024xf32, #tpu.memory_space<hbm>> -> memref<8x1024xf32, #tpu.memory_space<hbm>>
    tpu.wait_dma2 semaphore(%arg11 : memref<!tpu.dma_semaphore, #tpu.memory_space<semaphore_mem>>) src(%dma_wait3A_38 : memref<8x1024xf32, #tpu.memory_space<hbm>>) dst(%arg5 : memref<8x1024xf32, #tpu.memory_space<vmem>>)
    %dma_wait3A_39 = arith.constant 0 : i32
    %dma_wait3A_40 = tpu.memref_slice %arg3[%add3A_4, %dma_wait3A_39] : memref<1024x1024xf32, #tpu.memory_space<hbm>> -> memref<8x1024xf32, #tpu.memory_space<hbm>>
    %dma_wait3A_41 = arith.constant 0 : i32
    %dma_wait3A_42 = tpu.memref_slice %arg3[%add3A_4, %dma_wait3A_41] : memref<1024x1024xf32, #tpu.memory_space<hbm>> -> memref<8x1024xf32, #tpu.memory_space<hbm>>
    tpu.wait_dma2 semaphore(%arg12 : memref<!tpu.dma_semaphore, #tpu.memory_space<semaphore_mem>>) src(%dma_wait3A_42 : memref<8x1024xf32, #tpu.memory_space<hbm>>) dst(%arg6 : memref<8x1024xf32, #tpu.memory_space<vmem>>)
    %parallel_loop3A = arith.constant 0 : i32
    %parallel_loop3A_43 = arith.constant 512 : i32
    %parallel_loop3A_44 = arith.constant 1 : i32
    scf.for %parallel_loop3A_183 = %parallel_loop3A to %parallel_loop3A_43 step %parallel_loop3A_44  : i32 {
      %parallel_loop3A_184 = arith.constant 6 : i32
      %parallel_loop3A_185 = arith.shrsi %parallel_loop3A_183, %parallel_loop3A_184 : i32
      %parallel_loop3A_186 = arith.constant 63 : i32
      %parallel_loop3A_187 = arith.andi %parallel_loop3A_183, %parallel_loop3A_186 : i32
      %parallel_loop3A_188 = arith.constant 16 : i32
      %parallel_loop3A_189 = arith.muli %parallel_loop3A_187, %parallel_loop3A_188 : i32
      %parallel_loop3A_190 = tpu.assume_multiple %parallel_loop3A_189, 16 : i32
      %parallel_loop3A_191 = arith.index_cast %parallel_loop3A_185 : i32 to index
      %parallel_loop3A_192 = arith.index_cast %parallel_loop3A_190 : i32 to index
      %parallel_loop3A_193 = tpu.vector_load %arg5[%parallel_loop3A_191, %parallel_loop3A_192] {strides = array<i32>} : memref<8x1024xf32, #tpu.memory_space<vmem>>, vector<16xf32>,
      %parallel_loop3A_194 = arith.index_cast %parallel_loop3A_185 : i32 to index
      %parallel_loop3A_195 = arith.index_cast %parallel_loop3A_190 : i32 to index
      %parallel_loop3A_196 = tpu.vector_load %arg6[%parallel_loop3A_194, %parallel_loop3A_195] {strides = array<i32>} : memref<8x1024xf32, #tpu.memory_space<vmem>>, vector<16xf32>,
      %parallel_loop3A_197 = arith.constant 1.600000e+01 : f32
      %parallel_loop3A_198 = vector.broadcast %parallel_loop3A_197 : f32 to vector<16xf32>
      %parallel_loop3A_199 = arith.mulf %parallel_loop3A_193, %parallel_loop3A_198 : vector<16xf32>
      %parallel_loop3A_200 = arith.addf %parallel_loop3A_199, %parallel_loop3A_196 : vector<16xf32>
      %parallel_loop3A_201 = arith.fptosi %parallel_loop3A_200 : vector<16xf32> to vector<16xi32>
      %parallel_loop3A_202 = arith.addi %parallel_loop3A_201, %mul3A_21 : vector<16xi32>
      tpu.vector_store_idx %arg9[%parallel_loop3A_202], %broadcast_in_dim3A_23 {add = true} : memref<4096xf32, #tpu.memory_space<vmem>>[vector<16xi32>], vector<16xf32>,
    } {sc.loop_unroll_factor = 8 : i64, sc.parallel_access}
    %dma_wait3A_45 = arith.constant 0 : i32
    %dma_wait3A_46 = tpu.memref_slice %arg2[%add3A_27, %dma_wait3A_45] : memref<1024x1024xf32, #tpu.memory_space<hbm>> -> memref<8x1024xf32, #tpu.memory_space<hbm>>
    %dma_wait3A_47 = arith.constant 0 : i32
    %dma_wait3A_48 = tpu.memref_slice %arg2[%add3A_27, %dma_wait3A_47] : memref<1024x1024xf32, #tpu.memory_space<hbm>> -> memref<8x1024xf32, #tpu.memory_space<hbm>>
    tpu.wait_dma2 semaphore(%arg13 : memref<!tpu.dma_semaphore, #tpu.memory_space<semaphore_mem>>) src(%dma_wait3A_48 : memref<8x1024xf32, #tpu.memory_space<hbm>>) dst(%arg7 : memref<8x1024xf32, #tpu.memory_space<vmem>>)
    %dma_wait3A_49 = arith.constant 0 : i32
    %dma_wait3A_50 = tpu.memref_slice %arg3[%add3A_27, %dma_wait3A_49] : memref<1024x1024xf32, #tpu.memory_space<hbm>> -> memref<8x1024xf32, #tpu.memory_space<hbm>>
    %dma_wait3A_51 = arith.constant 0 : i32
    %dma_wait3A_52 = tpu.memref_slice %arg3[%add3A_27, %dma_wait3A_51] : memref<1024x1024xf32, #tpu.memory_space<hbm>> -> memref<8x1024xf32, #tpu.memory_space<hbm>>
    tpu.wait_dma2 semaphore(%arg14 : memref<!tpu.dma_semaphore, #tpu.memory_space<semaphore_mem>>) src(%dma_wait3A_52 : memref<8x1024xf32, #tpu.memory_space<hbm>>) dst(%arg8 : memref<8x1024xf32, #tpu.memory_space<vmem>>)
    %parallel_loop3A_53 = arith.constant 0 : i32
    %parallel_loop3A_54 = arith.constant 512 : i32
    %parallel_loop3A_55 = arith.constant 1 : i32
    scf.for %parallel_loop3A_183 = %parallel_loop3A_53 to %parallel_loop3A_54 step %parallel_loop3A_55  : i32 {
      %parallel_loop3A_184 = arith.constant 6 : i32
      %parallel_loop3A_185 = arith.shrsi %parallel_loop3A_183, %parallel_loop3A_184 : i32
      %parallel_loop3A_186 = arith.constant 63 : i32
      %parallel_loop3A_187 = arith.andi %parallel_loop3A_183, %parallel_loop3A_186 : i32
      %parallel_loop3A_188 = arith.constant 16 : i32
      %parallel_loop3A_189 = arith.muli %parallel_loop3A_187, %parallel_loop3A_188 : i32
      %parallel_loop3A_190 = tpu.assume_multiple %parallel_loop3A_189, 16 : i32
      %parallel_loop3A_191 = arith.index_cast %parallel_loop3A_185 : i32 to index
      %parallel_loop3A_192 = arith.index_cast %parallel_loop3A_190 : i32 to index
      %parallel_loop3A_193 = tpu.vector_load %arg7[%parallel_loop3A_191, %parallel_loop3A_192] {strides = array<i32>} : memref<8x1024xf32, #tpu.memory_space<vmem>>, vector<16xf32>,
      %parallel_loop3A_194 = arith.index_cast %parallel_loop3A_185 : i32 to index
      %parallel_loop3A_195 = arith.index_cast %parallel_loop3A_190 : i32 to index
      %parallel_loop3A_196 = tpu.vector_load %arg8[%parallel_loop3A_194, %parallel_loop3A_195] {strides = array<i32>} : memref<8x1024xf32, #tpu.memory_space<vmem>>, vector<16xf32>,
      %parallel_loop3A_197 = arith.constant 1.600000e+01 : f32
      %parallel_loop3A_198 = vector.broadcast %parallel_loop3A_197 : f32 to vector<16xf32>
      %parallel_loop3A_199 = arith.mulf %parallel_loop3A_193, %parallel_loop3A_198 : vector<16xf32>
      %parallel_loop3A_200 = arith.addf %parallel_loop3A_199, %parallel_loop3A_196 : vector<16xf32>
      %parallel_loop3A_201 = arith.fptosi %parallel_loop3A_200 : vector<16xf32> to vector<16xi32>
      %parallel_loop3A_202 = arith.addi %parallel_loop3A_201, %mul3A_21 : vector<16xi32>
      tpu.vector_store_idx %arg9[%parallel_loop3A_202], %broadcast_in_dim3A_23 {add = true} : memref<4096xf32, #tpu.memory_space<vmem>>[vector<16xi32>], vector<16xf32>,
    } {sc.loop_unroll_factor = 8 : i64, sc.parallel_access}
    %scan3A_56 = arith.constant 0 : i32
    %scan3A_57 = arith.constant 16 : i32
    %scan3A_58 = arith.addi %scan3A_56, %scan3A_57 : i32
    %scan3A_59 = arith.constant 1 : i32
    %scan3A_60 = scf.for %scan3A_183 = %scan3A_56 to %scan3A_58 step %scan3A_59 iter_args(%scan3A_184 = %broadcast_in_dim3A_12) -> (vector<16xf32>)  : i32 {
      %mul3A_185 = arith.constant 256 : i32
      %mul3A_186 = arith.muli %scan3A_183, %mul3A_185 : i32
      %add3A_187 = arith.constant 0 : i32
      %add3A_188 = arith.addi %mul3A_186, %add3A_187 : i32
      %multiple_of3A = tpu.assume_multiple %add3A_188, 16 : i32
      %get3A = arith.index_cast %multiple_of3A : i32 to index
      %get3A_189 = tpu.vector_load %arg9[%get3A] {strides = array<i32>} : memref<4096xf32, #tpu.memory_space<vmem>>, vector<16xf32>,
      %add3A_190 = arith.addf %scan3A_184, %get3A_189 : vector<16xf32>
      scf.yield %add3A_190 : vector<16xf32>
    }
    %scan3A_61 = arith.constant 16 : i32
    %swap3A = arith.constant 0 : index
    %swap3A_62 = tpu.vector_load %arg10[%swap3A] {strides = array<i32>} : memref<256xf32, #tpu.memory_space<vmem>>, vector<16xf32>,
    tpu.vector_store %arg10[%swap3A], %scan3A_60 {strides = array<i32>} : memref<256xf32, #tpu.memory_space<vmem>>, vector<16xf32>,
    %scan3A_63 = arith.constant 0 : i32
    %scan3A_64 = arith.constant 16 : i32
    %scan3A_65 = arith.addi %scan3A_63, %scan3A_64 : i32
    %scan3A_66 = arith.constant 1 : i32
    %scan3A_67 = scf.for %scan3A_183 = %scan3A_63 to %scan3A_65 step %scan3A_66 iter_args(%scan3A_184 = %broadcast_in_dim3A_12) -> (vector<16xf32>)  : i32 {
      %mul3A_185 = arith.constant 256 : i32
      %mul3A_186 = arith.muli %scan3A_183, %mul3A_185 : i32
      %add3A_187 = arith.constant 16 : i32
      %add3A_188 = arith.addi %mul3A_186, %add3A_187 : i32
      %multiple_of3A = tpu.assume_multiple %add3A_188, 16 : i32
      %get3A = arith.index_cast %multiple_of3A : i32 to index
      %get3A_189 = tpu.vector_load %arg9[%get3A] {strides = array<i32>} : memref<4096xf32, #tpu.memory_space<vmem>>, vector<16xf32>,
      %add3A_190 = arith.addf %scan3A_184, %get3A_189 : vector<16xf32>
      scf.yield %add3A_190 : vector<16xf32>
    }
    %scan3A_68 = arith.constant 16 : i32
    %swap3A_69 = arith.constant 16 : index
    %swap3A_70 = tpu.vector_load %arg10[%swap3A_69] {strides = array<i32>} : memref<256xf32, #tpu.memory_space<vmem>>, vector<16xf32>,
    tpu.vector_store %arg10[%swap3A_69], %scan3A_67 {strides = array<i32>} : memref<256xf32, #tpu.memory_space<vmem>>, vector<16xf32>,
    %scan3A_71 = arith.constant 0 : i32
    %scan3A_72 = arith.constant 16 : i32
    %scan3A_73 = arith.addi %scan3A_71, %scan3A_72 : i32
    %scan3A_74 = arith.constant 1 : i32
    %scan3A_75 = scf.for %scan3A_183 = %scan3A_71 to %scan3A_73 step %scan3A_74 iter_args(%scan3A_184 = %broadcast_in_dim3A_12) -> (vector<16xf32>)  : i32 {
      %mul3A_185 = arith.constant 256 : i32
      %mul3A_186 = arith.muli %scan3A_183, %mul3A_185 : i32
      %add3A_187 = arith.constant 32 : i32
      %add3A_188 = arith.addi %mul3A_186, %add3A_187 : i32
      %multiple_of3A = tpu.assume_multiple %add3A_188, 16 : i32
      %get3A = arith.index_cast %multiple_of3A : i32 to index
      %get3A_189 = tpu.vector_load %arg9[%get3A] {strides = array<i32>} : memref<4096xf32, #tpu.memory_space<vmem>>, vector<16xf32>,
      %add3A_190 = arith.addf %scan3A_184, %get3A_189 : vector<16xf32>
      scf.yield %add3A_190 : vector<16xf32>
    }
    %scan3A_76 = arith.constant 16 : i32
    %swap3A_77 = arith.constant 32 : index
    %swap3A_78 = tpu.vector_load %arg10[%swap3A_77] {strides = array<i32>} : memref<256xf32, #tpu.memory_space<vmem>>, vector<16xf32>,
    tpu.vector_store %arg10[%swap3A_77], %scan3A_75 {strides = array<i32>} : memref<256xf32, #tpu.memory_space<vmem>>, vector<16xf32>,
    %scan3A_79 = arith.constant 0 : i32
    %scan3A_80 = arith.constant 16 : i32
    %scan3A_81 = arith.addi %scan3A_79, %scan3A_80 : i32
    %scan3A_82 = arith.constant 1 : i32
    %scan3A_83 = scf.for %scan3A_183 = %scan3A_79 to %scan3A_81 step %scan3A_82 iter_args(%scan3A_184 = %broadcast_in_dim3A_12) -> (vector<16xf32>)  : i32 {
      %mul3A_185 = arith.constant 256 : i32
      %mul3A_186 = arith.muli %scan3A_183, %mul3A_185 : i32
      %add3A_187 = arith.constant 48 : i32
      %add3A_188 = arith.addi %mul3A_186, %add3A_187 : i32
      %multiple_of3A = tpu.assume_multiple %add3A_188, 16 : i32
      %get3A = arith.index_cast %multiple_of3A : i32 to index
      %get3A_189 = tpu.vector_load %arg9[%get3A] {strides = array<i32>} : memref<4096xf32, #tpu.memory_space<vmem>>, vector<16xf32>,
      %add3A_190 = arith.addf %scan3A_184, %get3A_189 : vector<16xf32>
      scf.yield %add3A_190 : vector<16xf32>
    }
    %scan3A_84 = arith.constant 16 : i32
    %swap3A_85 = arith.constant 48 : index
    %swap3A_86 = tpu.vector_load %arg10[%swap3A_85] {strides = array<i32>} : memref<256xf32, #tpu.memory_space<vmem>>, vector<16xf32>,
    tpu.vector_store %arg10[%swap3A_85], %scan3A_83 {strides = array<i32>} : memref<256xf32, #tpu.memory_space<vmem>>, vector<16xf32>,
    %scan3A_87 = arith.constant 0 : i32
    %scan3A_88 = arith.constant 16 : i32
    %scan3A_89 = arith.addi %scan3A_87, %scan3A_88 : i32
    %scan3A_90 = arith.constant 1 : i32
    %scan3A_91 = scf.for %scan3A_183 = %scan3A_87 to %scan3A_89 step %scan3A_90 iter_args(%scan3A_184 = %broadcast_in_dim3A_12) -> (vector<16xf32>)  : i32 {
      %mul3A_185 = arith.constant 256 : i32
      %mul3A_186 = arith.muli %scan3A_183, %mul3A_185 : i32
      %add3A_187 = arith.constant 64 : i32
      %add3A_188 = arith.addi %mul3A_186, %add3A_187 : i32
      %multiple_of3A = tpu.assume_multiple %add3A_188, 16 : i32
      %get3A = arith.index_cast %multiple_of3A : i32 to index
      %get3A_189 = tpu.vector_load %arg9[%get3A] {strides = array<i32>} : memref<4096xf32, #tpu.memory_space<vmem>>, vector<16xf32>,
      %add3A_190 = arith.addf %scan3A_184, %get3A_189 : vector<16xf32>
      scf.yield %add3A_190 : vector<16xf32>
    }
    %scan3A_92 = arith.constant 16 : i32
    %swap3A_93 = arith.constant 64 : index
    %swap3A_94 = tpu.vector_load %arg10[%swap3A_93] {strides = array<i32>} : memref<256xf32, #tpu.memory_space<vmem>>, vector<16xf32>,
    tpu.vector_store %arg10[%swap3A_93], %scan3A_91 {strides = array<i32>} : memref<256xf32, #tpu.memory_space<vmem>>, vector<16xf32>,
    %scan3A_95 = arith.constant 0 : i32
    %scan3A_96 = arith.constant 16 : i32
    %scan3A_97 = arith.addi %scan3A_95, %scan3A_96 : i32
    %scan3A_98 = arith.constant 1 : i32
    %scan3A_99 = scf.for %scan3A_183 = %scan3A_95 to %scan3A_97 step %scan3A_98 iter_args(%scan3A_184 = %broadcast_in_dim3A_12) -> (vector<16xf32>)  : i32 {
      %mul3A_185 = arith.constant 256 : i32
      %mul3A_186 = arith.muli %scan3A_183, %mul3A_185 : i32
      %add3A_187 = arith.constant 80 : i32
      %add3A_188 = arith.addi %mul3A_186, %add3A_187 : i32
      %multiple_of3A = tpu.assume_multiple %add3A_188, 16 : i32
      %get3A = arith.index_cast %multiple_of3A : i32 to index
      %get3A_189 = tpu.vector_load %arg9[%get3A] {strides = array<i32>} : memref<4096xf32, #tpu.memory_space<vmem>>, vector<16xf32>,
      %add3A_190 = arith.addf %scan3A_184, %get3A_189 : vector<16xf32>
      scf.yield %add3A_190 : vector<16xf32>
    }
    %scan3A_100 = arith.constant 16 : i32
    %swap3A_101 = arith.constant 80 : index
    %swap3A_102 = tpu.vector_load %arg10[%swap3A_101] {strides = array<i32>} : memref<256xf32, #tpu.memory_space<vmem>>, vector<16xf32>,
    tpu.vector_store %arg10[%swap3A_101], %scan3A_99 {strides = array<i32>} : memref<256xf32, #tpu.memory_space<vmem>>, vector<16xf32>,
    %scan3A_103 = arith.constant 0 : i32
    %scan3A_104 = arith.constant 16 : i32
    %scan3A_105 = arith.addi %scan3A_103, %scan3A_104 : i32
    %scan3A_106 = arith.constant 1 : i32
    %scan3A_107 = scf.for %scan3A_183 = %scan3A_103 to %scan3A_105 step %scan3A_106 iter_args(%scan3A_184 = %broadcast_in_dim3A_12) -> (vector<16xf32>)  : i32 {
      %mul3A_185 = arith.constant 256 : i32
      %mul3A_186 = arith.muli %scan3A_183, %mul3A_185 : i32
      %add3A_187 = arith.constant 96 : i32
      %add3A_188 = arith.addi %mul3A_186, %add3A_187 : i32
      %multiple_of3A = tpu.assume_multiple %add3A_188, 16 : i32
      %get3A = arith.index_cast %multiple_of3A : i32 to index
      %get3A_189 = tpu.vector_load %arg9[%get3A] {strides = array<i32>} : memref<4096xf32, #tpu.memory_space<vmem>>, vector<16xf32>,
      %add3A_190 = arith.addf %scan3A_184, %get3A_189 : vector<16xf32>
      scf.yield %add3A_190 : vector<16xf32>
    }
    %scan3A_108 = arith.constant 16 : i32
    %swap3A_109 = arith.constant 96 : index
    %swap3A_110 = tpu.vector_load %arg10[%swap3A_109] {strides = array<i32>} : memref<256xf32, #tpu.memory_space<vmem>>, vector<16xf32>,
    tpu.vector_store %arg10[%swap3A_109], %scan3A_107 {strides = array<i32>} : memref<256xf32, #tpu.memory_space<vmem>>, vector<16xf32>,
    %scan3A_111 = arith.constant 0 : i32
    %scan3A_112 = arith.constant 16 : i32
    %scan3A_113 = arith.addi %scan3A_111, %scan3A_112 : i32
    %scan3A_114 = arith.constant 1 : i32
    %scan3A_115 = scf.for %scan3A_183 = %scan3A_111 to %scan3A_113 step %scan3A_114 iter_args(%scan3A_184 = %broadcast_in_dim3A_12) -> (vector<16xf32>)  : i32 {
      %mul3A_185 = arith.constant 256 : i32
      %mul3A_186 = arith.muli %scan3A_183, %mul3A_185 : i32
      %add3A_187 = arith.constant 112 : i32
      %add3A_188 = arith.addi %mul3A_186, %add3A_187 : i32
      %multiple_of3A = tpu.assume_multiple %add3A_188, 16 : i32
      %get3A = arith.index_cast %multiple_of3A : i32 to index
      %get3A_189 = tpu.vector_load %arg9[%get3A] {strides = array<i32>} : memref<4096xf32, #tpu.memory_space<vmem>>, vector<16xf32>,
      %add3A_190 = arith.addf %scan3A_184, %get3A_189 : vector<16xf32>
      scf.yield %add3A_190 : vector<16xf32>
    }
    %scan3A_116 = arith.constant 16 : i32
    %swap3A_117 = arith.constant 112 : index
    %swap3A_118 = tpu.vector_load %arg10[%swap3A_117] {strides = array<i32>} : memref<256xf32, #tpu.memory_space<vmem>>, vector<16xf32>,
    tpu.vector_store %arg10[%swap3A_117], %scan3A_115 {strides = array<i32>} : memref<256xf32, #tpu.memory_space<vmem>>, vector<16xf32>,
    %scan3A_119 = arith.constant 0 : i32
    %scan3A_120 = arith.constant 16 : i32
    %scan3A_121 = arith.addi %scan3A_119, %scan3A_120 : i32
    %scan3A_122 = arith.constant 1 : i32
    %scan3A_123 = scf.for %scan3A_183 = %scan3A_119 to %scan3A_121 step %scan3A_122 iter_args(%scan3A_184 = %broadcast_in_dim3A_12) -> (vector<16xf32>)  : i32 {
      %mul3A_185 = arith.constant 256 : i32
      %mul3A_186 = arith.muli %scan3A_183, %mul3A_185 : i32
      %add3A_187 = arith.constant 128 : i32
      %add3A_188 = arith.addi %mul3A_186, %add3A_187 : i32
      %multiple_of3A = tpu.assume_multiple %add3A_188, 16 : i32
      %get3A = arith.index_cast %multiple_of3A : i32 to index
      %get3A_189 = tpu.vector_load %arg9[%get3A] {strides = array<i32>} : memref<4096xf32, #tpu.memory_space<vmem>>, vector<16xf32>,
      %add3A_190 = arith.addf %scan3A_184, %get3A_189 : vector<16xf32>
      scf.yield %add3A_190 : vector<16xf32>
    }
    %scan3A_124 = arith.constant 16 : i32
    %swap3A_125 = arith.constant 128 : index
    %swap3A_126 = tpu.vector_load %arg10[%swap3A_125] {strides = array<i32>} : memref<256xf32, #tpu.memory_space<vmem>>, vector<16xf32>,
    tpu.vector_store %arg10[%swap3A_125], %scan3A_123 {strides = array<i32>} : memref<256xf32, #tpu.memory_space<vmem>>, vector<16xf32>,
    %scan3A_127 = arith.constant 0 : i32
    %scan3A_128 = arith.constant 16 : i32
    %scan3A_129 = arith.addi %scan3A_127, %scan3A_128 : i32
    %scan3A_130 = arith.constant 1 : i32
    %scan3A_131 = scf.for %scan3A_183 = %scan3A_127 to %scan3A_129 step %scan3A_130 iter_args(%scan3A_184 = %broadcast_in_dim3A_12) -> (vector<16xf32>)  : i32 {
      %mul3A_185 = arith.constant 256 : i32
      %mul3A_186 = arith.muli %scan3A_183, %mul3A_185 : i32
      %add3A_187 = arith.constant 144 : i32
      %add3A_188 = arith.addi %mul3A_186, %add3A_187 : i32
      %multiple_of3A = tpu.assume_multiple %add3A_188, 16 : i32
      %get3A = arith.index_cast %multiple_of3A : i32 to index
      %get3A_189 = tpu.vector_load %arg9[%get3A] {strides = array<i32>} : memref<4096xf32, #tpu.memory_space<vmem>>, vector<16xf32>,
      %add3A_190 = arith.addf %scan3A_184, %get3A_189 : vector<16xf32>
      scf.yield %add3A_190 : vector<16xf32>
    }
    %scan3A_132 = arith.constant 16 : i32
    %swap3A_133 = arith.constant 144 : index
    %swap3A_134 = tpu.vector_load %arg10[%swap3A_133] {strides = array<i32>} : memref<256xf32, #tpu.memory_space<vmem>>, vector<16xf32>,
    tpu.vector_store %arg10[%swap3A_133], %scan3A_131 {strides = array<i32>} : memref<256xf32, #tpu.memory_space<vmem>>, vector<16xf32>,
    %scan3A_135 = arith.constant 0 : i32
    %scan3A_136 = arith.constant 16 : i32
    %scan3A_137 = arith.addi %scan3A_135, %scan3A_136 : i32
    %scan3A_138 = arith.constant 1 : i32
    %scan3A_139 = scf.for %scan3A_183 = %scan3A_135 to %scan3A_137 step %scan3A_138 iter_args(%scan3A_184 = %broadcast_in_dim3A_12) -> (vector<16xf32>)  : i32 {
      %mul3A_185 = arith.constant 256 : i32
      %mul3A_186 = arith.muli %scan3A_183, %mul3A_185 : i32
      %add3A_187 = arith.constant 160 : i32
      %add3A_188 = arith.addi %mul3A_186, %add3A_187 : i32
      %multiple_of3A = tpu.assume_multiple %add3A_188, 16 : i32
      %get3A = arith.index_cast %multiple_of3A : i32 to index
      %get3A_189 = tpu.vector_load %arg9[%get3A] {strides = array<i32>} : memref<4096xf32, #tpu.memory_space<vmem>>, vector<16xf32>,
      %add3A_190 = arith.addf %scan3A_184, %get3A_189 : vector<16xf32>
      scf.yield %add3A_190 : vector<16xf32>
    }
    %scan3A_140 = arith.constant 16 : i32
    %swap3A_141 = arith.constant 160 : index
    %swap3A_142 = tpu.vector_load %arg10[%swap3A_141] {strides = array<i32>} : memref<256xf32, #tpu.memory_space<vmem>>, vector<16xf32>,
    tpu.vector_store %arg10[%swap3A_141], %scan3A_139 {strides = array<i32>} : memref<256xf32, #tpu.memory_space<vmem>>, vector<16xf32>,
    %scan3A_143 = arith.constant 0 : i32
    %scan3A_144 = arith.constant 16 : i32
    %scan3A_145 = arith.addi %scan3A_143, %scan3A_144 : i32
    %scan3A_146 = arith.constant 1 : i32
    %scan3A_147 = scf.for %scan3A_183 = %scan3A_143 to %scan3A_145 step %scan3A_146 iter_args(%scan3A_184 = %broadcast_in_dim3A_12) -> (vector<16xf32>)  : i32 {
      %mul3A_185 = arith.constant 256 : i32
      %mul3A_186 = arith.muli %scan3A_183, %mul3A_185 : i32
      %add3A_187 = arith.constant 176 : i32
      %add3A_188 = arith.addi %mul3A_186, %add3A_187 : i32
      %multiple_of3A = tpu.assume_multiple %add3A_188, 16 : i32
      %get3A = arith.index_cast %multiple_of3A : i32 to index
      %get3A_189 = tpu.vector_load %arg9[%get3A] {strides = array<i32>} : memref<4096xf32, #tpu.memory_space<vmem>>, vector<16xf32>,
      %add3A_190 = arith.addf %scan3A_184, %get3A_189 : vector<16xf32>
      scf.yield %add3A_190 : vector<16xf32>
    }
    %scan3A_148 = arith.constant 16 : i32
    %swap3A_149 = arith.constant 176 : index
    %swap3A_150 = tpu.vector_load %arg10[%swap3A_149] {strides = array<i32>} : memref<256xf32, #tpu.memory_space<vmem>>, vector<16xf32>,
    tpu.vector_store %arg10[%swap3A_149], %scan3A_147 {strides = array<i32>} : memref<256xf32, #tpu.memory_space<vmem>>, vector<16xf32>,
    %scan3A_151 = arith.constant 0 : i32
    %scan3A_152 = arith.constant 16 : i32
    %scan3A_153 = arith.addi %scan3A_151, %scan3A_152 : i32
    %scan3A_154 = arith.constant 1 : i32
    %scan3A_155 = scf.for %scan3A_183 = %scan3A_151 to %scan3A_153 step %scan3A_154 iter_args(%scan3A_184 = %broadcast_in_dim3A_12) -> (vector<16xf32>)  : i32 {
      %mul3A_185 = arith.constant 256 : i32
      %mul3A_186 = arith.muli %scan3A_183, %mul3A_185 : i32
      %add3A_187 = arith.constant 192 : i32
      %add3A_188 = arith.addi %mul3A_186, %add3A_187 : i32
      %multiple_of3A = tpu.assume_multiple %add3A_188, 16 : i32
      %get3A = arith.index_cast %multiple_of3A : i32 to index
      %get3A_189 = tpu.vector_load %arg9[%get3A] {strides = array<i32>} : memref<4096xf32, #tpu.memory_space<vmem>>, vector<16xf32>,
      %add3A_190 = arith.addf %scan3A_184, %get3A_189 : vector<16xf32>
      scf.yield %add3A_190 : vector<16xf32>
    }
    %scan3A_156 = arith.constant 16 : i32
    %swap3A_157 = arith.constant 192 : index
    %swap3A_158 = tpu.vector_load %arg10[%swap3A_157] {strides = array<i32>} : memref<256xf32, #tpu.memory_space<vmem>>, vector<16xf32>,
    tpu.vector_store %arg10[%swap3A_157], %scan3A_155 {strides = array<i32>} : memref<256xf32, #tpu.memory_space<vmem>>, vector<16xf32>,
    %scan3A_159 = arith.constant 0 : i32
    %scan3A_160 = arith.constant 16 : i32
    %scan3A_161 = arith.addi %scan3A_159, %scan3A_160 : i32
    %scan3A_162 = arith.constant 1 : i32
    %scan3A_163 = scf.for %scan3A_183 = %scan3A_159 to %scan3A_161 step %scan3A_162 iter_args(%scan3A_184 = %broadcast_in_dim3A_12) -> (vector<16xf32>)  : i32 {
      %mul3A_185 = arith.constant 256 : i32
      %mul3A_186 = arith.muli %scan3A_183, %mul3A_185 : i32
      %add3A_187 = arith.constant 208 : i32
      %add3A_188 = arith.addi %mul3A_186, %add3A_187 : i32
      %multiple_of3A = tpu.assume_multiple %add3A_188, 16 : i32
      %get3A = arith.index_cast %multiple_of3A : i32 to index
      %get3A_189 = tpu.vector_load %arg9[%get3A] {strides = array<i32>} : memref<4096xf32, #tpu.memory_space<vmem>>, vector<16xf32>,
      %add3A_190 = arith.addf %scan3A_184, %get3A_189 : vector<16xf32>
      scf.yield %add3A_190 : vector<16xf32>
    }
    %scan3A_164 = arith.constant 16 : i32
    %swap3A_165 = arith.constant 208 : index
    %swap3A_166 = tpu.vector_load %arg10[%swap3A_165] {strides = array<i32>} : memref<256xf32, #tpu.memory_space<vmem>>, vector<16xf32>,
    tpu.vector_store %arg10[%swap3A_165], %scan3A_163 {strides = array<i32>} : memref<256xf32, #tpu.memory_space<vmem>>, vector<16xf32>,
    %scan3A_167 = arith.constant 0 : i32
    %scan3A_168 = arith.constant 16 : i32
    %scan3A_169 = arith.addi %scan3A_167, %scan3A_168 : i32
    %scan3A_170 = arith.constant 1 : i32
    %scan3A_171 = scf.for %scan3A_183 = %scan3A_167 to %scan3A_169 step %scan3A_170 iter_args(%scan3A_184 = %broadcast_in_dim3A_12) -> (vector<16xf32>)  : i32 {
      %mul3A_185 = arith.constant 256 : i32
      %mul3A_186 = arith.muli %scan3A_183, %mul3A_185 : i32
      %add3A_187 = arith.constant 224 : i32
      %add3A_188 = arith.addi %mul3A_186, %add3A_187 : i32
      %multiple_of3A = tpu.assume_multiple %add3A_188, 16 : i32
      %get3A = arith.index_cast %multiple_of3A : i32 to index
      %get3A_189 = tpu.vector_load %arg9[%get3A] {strides = array<i32>} : memref<4096xf32, #tpu.memory_space<vmem>>, vector<16xf32>,
      %add3A_190 = arith.addf %scan3A_184, %get3A_189 : vector<16xf32>
      scf.yield %add3A_190 : vector<16xf32>
    }
    %scan3A_172 = arith.constant 16 : i32
    %swap3A_173 = arith.constant 224 : index
    %swap3A_174 = tpu.vector_load %arg10[%swap3A_173] {strides = array<i32>} : memref<256xf32, #tpu.memory_space<vmem>>, vector<16xf32>,
    tpu.vector_store %arg10[%swap3A_173], %scan3A_171 {strides = array<i32>} : memref<256xf32, #tpu.memory_space<vmem>>, vector<16xf32>,
    %scan3A_175 = arith.constant 0 : i32
    %scan3A_176 = arith.constant 16 : i32
    %scan3A_177 = arith.addi %scan3A_175, %scan3A_176 : i32
    %scan3A_178 = arith.constant 1 : i32
    %scan3A_179 = scf.for %scan3A_183 = %scan3A_175 to %scan3A_177 step %scan3A_178 iter_args(%scan3A_184 = %broadcast_in_dim3A_12) -> (vector<16xf32>)  : i32 {
      %mul3A_185 = arith.constant 256 : i32
      %mul3A_186 = arith.muli %scan3A_183, %mul3A_185 : i32
      %add3A_187 = arith.constant 240 : i32
      %add3A_188 = arith.addi %mul3A_186, %add3A_187 : i32
      %multiple_of3A = tpu.assume_multiple %add3A_188, 16 : i32
      %get3A = arith.index_cast %multiple_of3A : i32 to index
      %get3A_189 = tpu.vector_load %arg9[%get3A] {strides = array<i32>} : memref<4096xf32, #tpu.memory_space<vmem>>, vector<16xf32>,
      %add3A_190 = arith.addf %scan3A_184, %get3A_189 : vector<16xf32>
      scf.yield %add3A_190 : vector<16xf32>
    }
    %scan3A_180 = arith.constant 16 : i32
    %swap3A_181 = arith.constant 240 : index
    %swap3A_182 = tpu.vector_load %arg10[%swap3A_181] {strides = array<i32>} : memref<256xf32, #tpu.memory_space<vmem>>, vector<16xf32>,
    tpu.vector_store %arg10[%swap3A_181], %scan3A_179 {strides = array<i32>} : memref<256xf32, #tpu.memory_space<vmem>>, vector<16xf32>,
    "tpu.region"() ({
      %run_scoped3A = tpu.sem_alloc : memref<!tpu.dma_semaphore, #tpu.memory_space<semaphore_mem>>
      %dma_start3A_183 = arith.constant 0 : i32
      %dma_start3A_184 = tpu.memref_slice %arg4[%add3A, %dma_start3A_183] : memref<32x256xf32, #tpu.memory_space<hbm>> -> memref<1x256xf32, #tpu.memory_space<hbm>>
      %dma_start3A_185 = tpu.memref_squeeze %dma_start3A_184 : memref<1x256xf32, #tpu.memory_space<hbm>> -> memref<256xf32, #tpu.memory_space<hbm>>
      %dma_start3A_186 = arith.constant 0 : i32
      %dma_start3A_187 = tpu.memref_slice %arg4[%add3A, %dma_start3A_186] : memref<32x256xf32, #tpu.memory_space<hbm>> -> memref<1x256xf32, #tpu.memory_space<hbm>>
      %dma_start3A_188 = tpu.memref_squeeze %dma_start3A_187 : memref<1x256xf32, #tpu.memory_space<hbm>> -> memref<256xf32, #tpu.memory_space<hbm>>
      tpu.enqueue_dma source(%arg10 : memref<256xf32, #tpu.memory_space<vmem>>) target(%dma_start3A_188 : memref<256xf32, #tpu.memory_space<hbm>>) target_semaphore(%run_scoped3A : memref<!tpu.dma_semaphore, #tpu.memory_space<semaphore_mem>>)
      %dma_wait3A_189 = arith.constant 0 : i32
      %dma_wait3A_190 = tpu.memref_slice %arg4[%add3A, %dma_wait3A_189] : memref<32x256xf32, #tpu.memory_space<hbm>> -> memref<1x256xf32, #tpu.memory_space<hbm>>
      %dma_wait3A_191 = tpu.memref_squeeze %dma_wait3A_190 : memref<1x256xf32, #tpu.memory_space<hbm>> -> memref<256xf32, #tpu.memory_space<hbm>>
      %dma_wait3A_192 = arith.constant 0 : i32
      %dma_wait3A_193 = tpu.memref_slice %arg4[%add3A, %dma_wait3A_192] : memref<32x256xf32, #tpu.memory_space<hbm>> -> memref<1x256xf32, #tpu.memory_space<hbm>>
      %dma_wait3A_194 = tpu.memref_squeeze %dma_wait3A_193 : memref<1x256xf32, #tpu.memory_space<hbm>> -> memref<256xf32, #tpu.memory_space<hbm>>
      tpu.wait_dma2 semaphore(%run_scoped3A : memref<!tpu.dma_semaphore, #tpu.memory_space<semaphore_mem>>) src(%arg10 : memref<256xf32, #tpu.memory_space<vmem>>) dst(%dma_wait3A_194 : memref<256xf32, #tpu.memory_space<hbm>>)
      tpu.yield
    }) : () -> ()
    return
  }
}

module attributes {stable_mosaic.version = 14 : i64} {
  func.func @_tc_epilogue_kernel(%arg0: memref<32x256xf32, #tpu.memory_space<vmem>>, %arg1: memref<16x16xf32, #tpu.memory_space<vmem>>, %arg2: memref<1x1xf32, #tpu.memory_space<vmem>>) attributes {dimension_semantics = [], scalar_prefetch = 0 : i64, scratch_operands = 0 : i64, tpu.core_type = #tpu.core_type<tc>} {
    %get3A = arith.constant 0 : index
    %get3A_0 = arith.constant 0 : index
    %get3A_1 = vector.load %arg0[%get3A, %get3A_0] : memref<32x256xf32, #tpu.memory_space<vmem>>, vector<32x256xf32>
    %reduce_sum3A = arith.constant dense<0.000000e+00> : vector<256xf32>
    %reduce_sum3A_2 = vector.multi_reduction <add>, %get3A_1, %reduce_sum3A [0] : vector<32x256xf32> to vector<256xf32>
    %broadcast_in_dim3A = vector.shape_cast %reduce_sum3A_2 : vector<256xf32> to vector<1x256xf32>
    %iota3A = tpu.iota {dimensions = array<i32: 0>} : vector<16x256xi32>
    %iota3A_3 = tpu.iota {dimensions = array<i32: 1>} : vector<16x256xi32>
    %shift_right_arithmetic3A = arith.constant 4 : i32
    %shift_right_arithmetic3A_4 = vector.broadcast %shift_right_arithmetic3A : i32 to vector<16x256xi32>
    %shift_right_arithmetic3A_5 = arith.shrsi %iota3A_3, %shift_right_arithmetic3A_4 : vector<16x256xi32>
    %eq3A = arith.cmpi eq, %shift_right_arithmetic3A_5, %iota3A : vector<16x256xi32>
    %jit3A = arith.constant 0.000000e+00 : f32
    %broadcast_in_dim3A_6 = vector.shape_cast %broadcast_in_dim3A : vector<1x256xf32> to vector<1x256xf32>
    %broadcast_in_dim3A_7 = vector.broadcast %broadcast_in_dim3A_6 : vector<1x256xf32> to vector<16x256xf32>
    %broadcast_in_dim3A_8 = vector.broadcast %jit3A : f32 to vector<16x256xf32>
    %select_n3A = arith.select %eq3A, %broadcast_in_dim3A_7, %broadcast_in_dim3A_8 : vector<16x256xi1>, vector<16x256xf32>
    %iota3A_9 = tpu.iota {dimensions = array<i32: 0>} : vector<256x16xi32>
    %iota3A_10 = tpu.iota {dimensions = array<i32: 1>} : vector<256x16xi32>
    %and3A = arith.constant 15 : i32
    %and3A_11 = vector.broadcast %and3A : i32 to vector<256x16xi32>
    %and3A_12 = arith.andi %iota3A_9, %and3A_11 : vector<256x16xi32>
    %eq3A_13 = arith.cmpi eq, %and3A_12, %iota3A_10 : vector<256x16xi32>
    %convert_element_type3A = arith.extui %eq3A_13 : vector<256x16xi1> to vector<256x16xi32>
    %convert_element_type3A_14 = arith.sitofp %convert_element_type3A : vector<256x16xi32> to vector<256x16xf32>
    %dot_general3A = arith.constant dense<0.000000e+00> : vector<16x16xf32>
    %dot_general3A_15 = tpu.matmul %select_n3A, %convert_element_type3A_14, %dot_general3A {dimension_numbers = #tpu.dot_dimension_numbers<[1], [0], [0], [1], [0, 0, 1, 1], [], []>, transpose_lhs_hint = false} : vector<16x256xf32>, vector<256x16xf32>, vector<16x16xf32> -> vector<16x16xf32>
    %get3A_16 = arith.constant 0 : index
    %get3A_17 = arith.constant 0 : index
    %get3A_18 = vector.load %arg1[%get3A_16, %get3A_17] : memref<16x16xf32, #tpu.memory_space<vmem>>, vector<16x16xf32>
    %add3A = arith.addf %dot_general3A_15, %get3A_18 : vector<16x16xf32>
    %iota3A_19 = tpu.iota {dimensions = array<i32: 0>} : vector<16x16xi32>
    %iota3A_20 = tpu.iota {dimensions = array<i32: 1>} : vector<16x16xi32>
    %sub3A = arith.subi %iota3A_19, %iota3A_20 : vector<16x16xi32>
    %convert_element_type3A_21 = arith.sitofp %sub3A : vector<16x16xi32> to vector<16x16xf32>
    %mul3A = arith.mulf %add3A, %convert_element_type3A_21 : vector<16x16xf32>
    %mul3A_22 = arith.mulf %mul3A, %convert_element_type3A_21 : vector<16x16xf32>
    %reduce_sum3A_23 = vector.shape_cast %mul3A_22 : vector<16x16xf32> to vector<1x16x16xf32>
    %reduce_sum3A_24 = arith.constant dense<0.000000e+00> : vector<1xf32>
    %reduce_sum3A_25 = vector.multi_reduction <add>, %reduce_sum3A_23, %reduce_sum3A_24 [1, 2] : vector<1x16x16xf32> to vector<1xf32>
    %reduce_sum3A_26 = vector.shape_cast %reduce_sum3A_25 : vector<1xf32> to vector<1x1x1xf32>
    %reduce_sum3A_27 = vector.extract %reduce_sum3A_26[0, 0, 0] : f32 from vector<1x1x1xf32>
    %ge3A = arith.constant 1 : i32
    %ge3A_28 = vector.broadcast %ge3A : i32 to vector<16x16xi32>
    %ge3A_29 = arith.cmpi sge, %iota3A_19, %ge3A_28 : vector<16x16xi32>
    %ge3A_30 = arith.constant 1 : i32
    %ge3A_31 = vector.broadcast %ge3A_30 : i32 to vector<16x16xi32>
    %ge3A_32 = arith.cmpi sge, %iota3A_20, %ge3A_31 : vector<16x16xi32>
    %and3A_33 = arith.andi %ge3A_29, %ge3A_32 : vector<16x16xi1>
    %jit3A_34 = arith.constant 0.000000e+00 : f32
    %broadcast_in_dim3A_35 = vector.broadcast %jit3A_34 : f32 to vector<16x16xf32>
    %select_n3A_36 = arith.select %and3A_33, %add3A, %broadcast_in_dim3A_35 : vector<16x16xi1>, vector<16x16xf32>
    %reduce_sum3A_37 = arith.constant dense<0.000000e+00> : vector<16xf32>
    %reduce_sum3A_38 = vector.multi_reduction <add>, %add3A, %reduce_sum3A_37 [1] : vector<16x16xf32> to vector<16xf32>
    %broadcast_in_dim3A_39 = vector.shape_cast %reduce_sum3A_38 : vector<16xf32> to vector<16x1xf32>
    %reduce_sum3A_40 = arith.constant dense<0.000000e+00> : vector<16xf32>
    %reduce_sum3A_41 = vector.multi_reduction <add>, %add3A, %reduce_sum3A_40 [0] : vector<16x16xf32> to vector<16xf32>
    %broadcast_in_dim3A_42 = vector.shape_cast %reduce_sum3A_41 : vector<16xf32> to vector<1x16xf32>
    %add3A_43 = vector.broadcast %broadcast_in_dim3A_39 : vector<16x1xf32> to vector<16x16xf32>
    %add3A_44 = vector.broadcast %broadcast_in_dim3A_42 : vector<1x16xf32> to vector<16x16xf32>
    %add3A_45 = arith.addf %add3A_43, %add3A_44 : vector<16x16xf32>
    %sub3A_46 = arith.subf %add3A_45, %select_n3A_36 : vector<16x16xf32>
    %ne3A = arith.constant 0.000000e+00 : f32
    %ne3A_47 = vector.broadcast %ne3A : f32 to vector<16x16xf32>
    %ne3A_48 = arith.cmpf one, %sub3A_46, %ne3A_47 : vector<16x16xf32>
    %and3A_49 = arith.andi %and3A_33, %ne3A_48 : vector<16x16xi1>
    %max3A = arith.constant 9.99999996E-13 : f32
    %max3A_50 = vector.broadcast %max3A : f32 to vector<16x16xf32>
    %max3A_51 = arith.maximumf %sub3A_46, %max3A_50 : vector<16x16xf32>
    %div3A = arith.divf %select_n3A_36, %max3A_51 : vector<16x16xf32>
    %jit3A_52 = arith.constant 0.000000e+00 : f32
    %broadcast_in_dim3A_53 = vector.broadcast %jit3A_52 : f32 to vector<16x16xf32>
    %select_n3A_54 = arith.select %and3A_49, %div3A, %broadcast_in_dim3A_53 : vector<16x16xi1>, vector<16x16xf32>
    %reduce_max3A = arith.constant dense<0xFF800000> : vector<16xf32>
    %reduce_max3A_55 = vector.multi_reduction <maximumf>, %select_n3A_54, %reduce_max3A [1] : vector<16x16xf32> to vector<16xf32>
    %broadcast_in_dim3A_56 = vector.shape_cast %reduce_max3A_55 : vector<16xf32> to vector<16x1xf32>
    %reduce_max3A_57 = arith.constant dense<0xFF800000> : vector<16xf32>
    %reduce_max3A_58 = vector.multi_reduction <maximumf>, %select_n3A_54, %reduce_max3A_57 [0] : vector<16x16xf32> to vector<16xf32>
    %broadcast_in_dim3A_59 = vector.shape_cast %reduce_max3A_58 : vector<16xf32> to vector<1x16xf32>
    %iota3A_60 = tpu.iota {dimensions = array<i32: 0>} : vector<16x1xi32>
    %ge3A_61 = arith.constant 1 : i32
    %ge3A_62 = vector.broadcast %ge3A_61 : i32 to vector<16x1xi32>
    %ge3A_63 = arith.cmpi sge, %iota3A_60, %ge3A_62 : vector<16x1xi32>
    %gt3A = arith.constant 0.000000e+00 : f32
    %gt3A_64 = vector.broadcast %gt3A : f32 to vector<16x1xf32>
    %gt3A_65 = arith.cmpf ogt, %broadcast_in_dim3A_39, %gt3A_64 : vector<16x1xf32>
    %and3A_66 = arith.andi %ge3A_63, %gt3A_65 : vector<16x1xi1>
    %iota3A_67 = tpu.iota {dimensions = array<i32: 1>} : vector<1x16xi32>
    %ge3A_68 = arith.constant 1 : i32
    %ge3A_69 = vector.broadcast %ge3A_68 : i32 to vector<1x16xi32>
    %ge3A_70 = arith.cmpi sge, %iota3A_67, %ge3A_69 : vector<1x16xi32>
    %gt3A_71 = arith.constant 0.000000e+00 : f32
    %gt3A_72 = vector.broadcast %gt3A_71 : f32 to vector<1x16xf32>
    %gt3A_73 = arith.cmpf ogt, %broadcast_in_dim3A_42, %gt3A_72 : vector<1x16xf32>
    %and3A_74 = arith.andi %ge3A_70, %gt3A_73 : vector<1x16xi1>
    %sub3A_75 = arith.constant 1.000000e+00 : f32
    %sub3A_76 = vector.broadcast %sub3A_75 : f32 to vector<16x1xf32>
    %sub3A_77 = arith.subf %sub3A_76, %broadcast_in_dim3A_56 : vector<16x1xf32>
    %jit3A_78 = arith.constant 0.000000e+00 : f32
    %broadcast_in_dim3A_79 = vector.broadcast %jit3A_78 : f32 to vector<16x1xf32>
    %select_n3A_80 = arith.select %and3A_66, %sub3A_77, %broadcast_in_dim3A_79 : vector<16x1xi1>, vector<16x1xf32>
    %reduce_sum3A_81 = vector.shape_cast %select_n3A_80 : vector<16x1xf32> to vector<1x16x1xf32>
    %reduce_sum3A_82 = arith.constant dense<0.000000e+00> : vector<1xf32>
    %reduce_sum3A_83 = vector.multi_reduction <add>, %reduce_sum3A_81, %reduce_sum3A_82 [1, 2] : vector<1x16x1xf32> to vector<1xf32>
    %reduce_sum3A_84 = vector.shape_cast %reduce_sum3A_83 : vector<1xf32> to vector<1x1x1xf32>
    %reduce_sum3A_85 = vector.extract %reduce_sum3A_84[0, 0, 0] : f32 from vector<1x1x1xf32>
    %sub3A_86 = arith.constant 1.000000e+00 : f32
    %sub3A_87 = vector.broadcast %sub3A_86 : f32 to vector<1x16xf32>
    %sub3A_88 = arith.subf %sub3A_87, %broadcast_in_dim3A_59 : vector<1x16xf32>
    %jit3A_89 = arith.constant 0.000000e+00 : f32
    %broadcast_in_dim3A_90 = vector.broadcast %jit3A_89 : f32 to vector<1x16xf32>
    %select_n3A_91 = arith.select %and3A_74, %sub3A_88, %broadcast_in_dim3A_90 : vector<1x16xi1>, vector<1x16xf32>
    %reduce_sum3A_92 = vector.shape_cast %select_n3A_91 : vector<1x16xf32> to vector<1x1x16xf32>
    %reduce_sum3A_93 = arith.constant dense<0.000000e+00> : vector<1xf32>
    %reduce_sum3A_94 = vector.multi_reduction <add>, %reduce_sum3A_92, %reduce_sum3A_93 [1, 2] : vector<1x1x16xf32> to vector<1xf32>
    %reduce_sum3A_95 = vector.shape_cast %reduce_sum3A_94 : vector<1xf32> to vector<1x1x1xf32>
    %reduce_sum3A_96 = vector.extract %reduce_sum3A_95[0, 0, 0] : f32 from vector<1x1x1xf32>
    %convert_element_type3A_97 = arith.extui %and3A_66 : vector<16x1xi1> to vector<16x1xi32>
    %convert_element_type3A_98 = arith.sitofp %convert_element_type3A_97 : vector<16x1xi32> to vector<16x1xf32>
    %reduce_sum3A_99 = vector.shape_cast %convert_element_type3A_98 : vector<16x1xf32> to vector<1x16x1xf32>
    %reduce_sum3A_100 = arith.constant dense<0.000000e+00> : vector<1xf32>
    %reduce_sum3A_101 = vector.multi_reduction <add>, %reduce_sum3A_99, %reduce_sum3A_100 [1, 2] : vector<1x16x1xf32> to vector<1xf32>
    %reduce_sum3A_102 = vector.shape_cast %reduce_sum3A_101 : vector<1xf32> to vector<1x1x1xf32>
    %reduce_sum3A_103 = vector.extract %reduce_sum3A_102[0, 0, 0] : f32 from vector<1x1x1xf32>
    %convert_element_type3A_104 = arith.extui %and3A_74 : vector<1x16xi1> to vector<1x16xi32>
    %convert_element_type3A_105 = arith.sitofp %convert_element_type3A_104 : vector<1x16xi32> to vector<1x16xf32>
    %reduce_sum3A_106 = vector.shape_cast %convert_element_type3A_105 : vector<1x16xf32> to vector<1x1x16xf32>
    %reduce_sum3A_107 = arith.constant dense<0.000000e+00> : vector<1xf32>
    %reduce_sum3A_108 = vector.multi_reduction <add>, %reduce_sum3A_106, %reduce_sum3A_107 [1, 2] : vector<1x1x16xf32> to vector<1xf32>
    %reduce_sum3A_109 = vector.shape_cast %reduce_sum3A_108 : vector<1xf32> to vector<1x1x1xf32>
    %reduce_sum3A_110 = vector.extract %reduce_sum3A_109[0, 0, 0] : f32 from vector<1x1x1xf32>
    %add3A_111 = arith.addf %reduce_sum3A_103, %reduce_sum3A_110 : f32
    %div3A_112 = arith.constant 0x49800000 : f32
    %div3A_113 = arith.divf %reduce_sum3A_27, %div3A_112 : f32
    %div3A_114 = arith.constant 1.000000e+03 : f32
    %div3A_115 = arith.divf %div3A_113, %div3A_114 : f32
    %add3A_116 = arith.addf %div3A_115, %reduce_sum3A_85 : f32
    %add3A_117 = arith.addf %add3A_116, %reduce_sum3A_96 : f32
    %eq3A_118 = arith.constant 0.000000e+00 : f32
    %eq3A_119 = arith.cmpf oeq, %add3A_111, %eq3A_118 : f32
    %jit3A_120 = arith.constant 0.000000e+00 : f32
    %select_n3A_121 = arith.select %eq3A_119, %jit3A_120, %add3A_117 : f32
    %reshape3A = vector.broadcast %select_n3A_121 : f32 to vector<1x1xf32>
    %swap3A = arith.constant 0 : index
    %swap3A_122 = arith.constant 0 : index
    %swap3A_123 = vector.load %arg2[%swap3A, %swap3A_122] : memref<1x1xf32, #tpu.memory_space<vmem>>, vector<1x1xf32>
    tpu.vector_store %arg2[%swap3A, %swap3A_122], %reshape3A {strides = array<i32>} : memref<1x1xf32, #tpu.memory_space<vmem>>, vector<1x1xf32>,
    return
  }
}

module attributes {stable_mosaic.version = 14 : i64} {
  func.func @_tc_hist_kernel(%arg0: i32, %arg1: memref<128x1024xf32, #tpu.memory_space<vmem>>, %arg2: memref<128x1024xf32, #tpu.memory_space<vmem>>, %arg3: memref<16x16xf32, #tpu.memory_space<vmem>>, %arg4: memref<256x256xf32, #tpu.memory_space<vmem>>) attributes {dimension_semantics = [#tpu.dimension_semantics<arbitrary>], iteration_bounds = array<i64: 4>, scalar_prefetch = 0 : i64, scratch_operands = 1 : i64, tpu.core_type = #tpu.core_type<tc>, window_params = [{transform_indices = @transform_0, window_bounds = array<i64: 128, 1024>}, {transform_indices = @transform_1, window_bounds = array<i64: 128, 1024>}, {pipeline_mode = #tpu.pipeline_mode<synchronous>, transform_indices = @transform_2, window_bounds = array<i64: 16, 16>}]} {
    %eq3A = arith.constant 0 : i32
    %eq3A_0 = arith.cmpi eq, %arg0, %eq3A : i32
    %convert_element_type3A = arith.extui %eq3A_0 : i1 to i32
    %cond3A = arith.constant 0 : i32
    %cond3A_1 = arith.cmpi ne, %convert_element_type3A, %cond3A : i32
    scf.if %cond3A_1 {
      %broadcast_in_dim3A_186 = arith.constant 0.000000e+00 : f32
      %broadcast_in_dim3A_187 = vector.broadcast %broadcast_in_dim3A_186 : f32 to vector<256x256xf32>
      %swap3A_188 = arith.constant 0 : index
      %swap3A_189 = arith.constant 0 : index
      %swap3A_190 = vector.load %arg4[%swap3A_188, %swap3A_189] : memref<256x256xf32, #tpu.memory_space<vmem>>, vector<256x256xf32>
      tpu.vector_store %arg4[%swap3A_188, %swap3A_189], %broadcast_in_dim3A_187 {strides = array<i32>} : memref<256x256xf32, #tpu.memory_space<vmem>>, vector<256x256xf32>,
    } else {
    }
    %get3A = arith.constant 0 : index
    %get3A_2 = arith.constant 0 : index
    %get3A_3 = vector.load %arg1[%get3A, %get3A_2] : memref<128x1024xf32, #tpu.memory_space<vmem>>, vector<128x1024xf32>
    %get3A_4 = arith.constant 0 : index
    %get3A_5 = arith.constant 0 : index
    %get3A_6 = vector.load %arg2[%get3A_4, %get3A_5] : memref<128x1024xf32, #tpu.memory_space<vmem>>, vector<128x1024xf32>
    %iota3A = tpu.iota {dimensions = array<i32: 0>} : vector<256x1024xi32>
    %and3A = arith.constant 15 : i32
    %and3A_7 = vector.broadcast %and3A : i32 to vector<256x1024xi32>
    %and3A_8 = arith.andi %iota3A, %and3A_7 : vector<256x1024xi32>
    %convert_element_type3A_9 = arith.sitofp %and3A_8 : vector<256x1024xi32> to vector<256x1024xf32>
    %broadcast_in_dim3A = arith.constant 0.000000e+00 : f32
    %broadcast_in_dim3A_10 = vector.broadcast %broadcast_in_dim3A : f32 to vector<256x256xf32>
    %slice3A = vector.extract_strided_slice %get3A_3 {offsets = [0, 0], sizes = [16, 1024], strides = [1, 1]} : vector<128x1024xf32> to vector<16x1024xf32>
    %slice3A_11 = vector.extract_strided_slice %get3A_6 {offsets = [0, 0], sizes = [16, 1024], strides = [1, 1]} : vector<128x1024xf32> to vector<16x1024xf32>
    %broadcast_in_dim3A_12 = vector.shape_cast %slice3A : vector<16x1024xf32> to vector<16x1x1024xf32>
    %broadcast_in_dim3A_13 = vector.shape_cast %broadcast_in_dim3A_12 : vector<16x1x1024xf32> to vector<16x1x1024xf32>
    %broadcast_in_dim3A_14 = vector.broadcast %broadcast_in_dim3A_13 : vector<16x1x1024xf32> to vector<16x16x1024xf32>
    %reshape3A = vector.shape_cast %broadcast_in_dim3A_14 : vector<16x16x1024xf32> to vector<256x1024xf32>
    %broadcast_in_dim3A_15 = vector.shape_cast %slice3A_11 : vector<16x1024xf32> to vector<16x1x1024xf32>
    %broadcast_in_dim3A_16 = vector.shape_cast %broadcast_in_dim3A_15 : vector<16x1x1024xf32> to vector<16x1x1024xf32>
    %broadcast_in_dim3A_17 = vector.broadcast %broadcast_in_dim3A_16 : vector<16x1x1024xf32> to vector<16x16x1024xf32>
    %reshape3A_18 = vector.shape_cast %broadcast_in_dim3A_17 : vector<16x16x1024xf32> to vector<256x1024xf32>
    %eq3A_19 = arith.cmpf oeq, %reshape3A, %convert_element_type3A_9 : vector<256x1024xf32>
    %convert_element_type3A_20 = arith.extui %eq3A_19 : vector<256x1024xi1> to vector<256x1024xi32>
    %convert_element_type3A_21 = arith.sitofp %convert_element_type3A_20 : vector<256x1024xi32> to vector<256x1024xf32>
    %convert_element_type3A_22 = arith.truncf %convert_element_type3A_21 : vector<256x1024xf32> to vector<256x1024xbf16>
    %eq3A_23 = arith.cmpf oeq, %reshape3A_18, %convert_element_type3A_9 : vector<256x1024xf32>
    %convert_element_type3A_24 = arith.extui %eq3A_23 : vector<256x1024xi1> to vector<256x1024xi32>
    %convert_element_type3A_25 = arith.sitofp %convert_element_type3A_24 : vector<256x1024xi32> to vector<256x1024xf32>
    %convert_element_type3A_26 = arith.truncf %convert_element_type3A_25 : vector<256x1024xf32> to vector<256x1024xbf16>
    %dot_general3A = arith.constant dense<0.000000e+00> : vector<256x256xf32>
    %dot_general3A_27 = tpu.matmul %convert_element_type3A_22, %convert_element_type3A_26, %dot_general3A {dimension_numbers = #tpu.dot_dimension_numbers<[1], [1], [0], [0], [0, 0, 1, 0], [], []>, transpose_lhs_hint = false} : vector<256x1024xbf16>, vector<256x1024xbf16>, vector<256x256xf32> -> vector<256x256xf32>
    %add3A = arith.addf %broadcast_in_dim3A_10, %dot_general3A_27 : vector<256x256xf32>
    %slice3A_28 = vector.extract_strided_slice %get3A_3 {offsets = [16, 0], sizes = [16, 1024], strides = [1, 1]} : vector<128x1024xf32> to vector<16x1024xf32>
    %slice3A_29 = vector.extract_strided_slice %get3A_6 {offsets = [16, 0], sizes = [16, 1024], strides = [1, 1]} : vector<128x1024xf32> to vector<16x1024xf32>
    %broadcast_in_dim3A_30 = vector.shape_cast %slice3A_28 : vector<16x1024xf32> to vector<16x1x1024xf32>
    %broadcast_in_dim3A_31 = vector.shape_cast %broadcast_in_dim3A_30 : vector<16x1x1024xf32> to vector<16x1x1024xf32>
    %broadcast_in_dim3A_32 = vector.broadcast %broadcast_in_dim3A_31 : vector<16x1x1024xf32> to vector<16x16x1024xf32>
    %reshape3A_33 = vector.shape_cast %broadcast_in_dim3A_32 : vector<16x16x1024xf32> to vector<256x1024xf32>
    %broadcast_in_dim3A_34 = vector.shape_cast %slice3A_29 : vector<16x1024xf32> to vector<16x1x1024xf32>
    %broadcast_in_dim3A_35 = vector.shape_cast %broadcast_in_dim3A_34 : vector<16x1x1024xf32> to vector<16x1x1024xf32>
    %broadcast_in_dim3A_36 = vector.broadcast %broadcast_in_dim3A_35 : vector<16x1x1024xf32> to vector<16x16x1024xf32>
    %reshape3A_37 = vector.shape_cast %broadcast_in_dim3A_36 : vector<16x16x1024xf32> to vector<256x1024xf32>
    %eq3A_38 = arith.cmpf oeq, %reshape3A_33, %convert_element_type3A_9 : vector<256x1024xf32>
    %convert_element_type3A_39 = arith.extui %eq3A_38 : vector<256x1024xi1> to vector<256x1024xi32>
    %convert_element_type3A_40 = arith.sitofp %convert_element_type3A_39 : vector<256x1024xi32> to vector<256x1024xf32>
    %convert_element_type3A_41 = arith.truncf %convert_element_type3A_40 : vector<256x1024xf32> to vector<256x1024xbf16>
    %eq3A_42 = arith.cmpf oeq, %reshape3A_37, %convert_element_type3A_9 : vector<256x1024xf32>
    %convert_element_type3A_43 = arith.extui %eq3A_42 : vector<256x1024xi1> to vector<256x1024xi32>
    %convert_element_type3A_44 = arith.sitofp %convert_element_type3A_43 : vector<256x1024xi32> to vector<256x1024xf32>
    %convert_element_type3A_45 = arith.truncf %convert_element_type3A_44 : vector<256x1024xf32> to vector<256x1024xbf16>
    %dot_general3A_46 = arith.constant dense<0.000000e+00> : vector<256x256xf32>
    %dot_general3A_47 = tpu.matmul %convert_element_type3A_41, %convert_element_type3A_45, %dot_general3A_46 {dimension_numbers = #tpu.dot_dimension_numbers<[1], [1], [0], [0], [0, 0, 1, 0], [], []>, transpose_lhs_hint = false} : vector<256x1024xbf16>, vector<256x1024xbf16>, vector<256x256xf32> -> vector<256x256xf32>
    %add3A_48 = arith.addf %add3A, %dot_general3A_47 : vector<256x256xf32>
    %slice3A_49 = vector.extract_strided_slice %get3A_3 {offsets = [32, 0], sizes = [16, 1024], strides = [1, 1]} : vector<128x1024xf32> to vector<16x1024xf32>
    %slice3A_50 = vector.extract_strided_slice %get3A_6 {offsets = [32, 0], sizes = [16, 1024], strides = [1, 1]} : vector<128x1024xf32> to vector<16x1024xf32>
    %broadcast_in_dim3A_51 = vector.shape_cast %slice3A_49 : vector<16x1024xf32> to vector<16x1x1024xf32>
    %broadcast_in_dim3A_52 = vector.shape_cast %broadcast_in_dim3A_51 : vector<16x1x1024xf32> to vector<16x1x1024xf32>
    %broadcast_in_dim3A_53 = vector.broadcast %broadcast_in_dim3A_52 : vector<16x1x1024xf32> to vector<16x16x1024xf32>
    %reshape3A_54 = vector.shape_cast %broadcast_in_dim3A_53 : vector<16x16x1024xf32> to vector<256x1024xf32>
    %broadcast_in_dim3A_55 = vector.shape_cast %slice3A_50 : vector<16x1024xf32> to vector<16x1x1024xf32>
    %broadcast_in_dim3A_56 = vector.shape_cast %broadcast_in_dim3A_55 : vector<16x1x1024xf32> to vector<16x1x1024xf32>
    %broadcast_in_dim3A_57 = vector.broadcast %broadcast_in_dim3A_56 : vector<16x1x1024xf32> to vector<16x16x1024xf32>
    %reshape3A_58 = vector.shape_cast %broadcast_in_dim3A_57 : vector<16x16x1024xf32> to vector<256x1024xf32>
    %eq3A_59 = arith.cmpf oeq, %reshape3A_54, %convert_element_type3A_9 : vector<256x1024xf32>
    %convert_element_type3A_60 = arith.extui %eq3A_59 : vector<256x1024xi1> to vector<256x1024xi32>
    %convert_element_type3A_61 = arith.sitofp %convert_element_type3A_60 : vector<256x1024xi32> to vector<256x1024xf32>
    %convert_element_type3A_62 = arith.truncf %convert_element_type3A_61 : vector<256x1024xf32> to vector<256x1024xbf16>
    %eq3A_63 = arith.cmpf oeq, %reshape3A_58, %convert_element_type3A_9 : vector<256x1024xf32>
    %convert_element_type3A_64 = arith.extui %eq3A_63 : vector<256x1024xi1> to vector<256x1024xi32>
    %convert_element_type3A_65 = arith.sitofp %convert_element_type3A_64 : vector<256x1024xi32> to vector<256x1024xf32>
    %convert_element_type3A_66 = arith.truncf %convert_element_type3A_65 : vector<256x1024xf32> to vector<256x1024xbf16>
    %dot_general3A_67 = arith.constant dense<0.000000e+00> : vector<256x256xf32>
    %dot_general3A_68 = tpu.matmul %convert_element_type3A_62, %convert_element_type3A_66, %dot_general3A_67 {dimension_numbers = #tpu.dot_dimension_numbers<[1], [1], [0], [0], [0, 0, 1, 0], [], []>, transpose_lhs_hint = false} : vector<256x1024xbf16>, vector<256x1024xbf16>, vector<256x256xf32> -> vector<256x256xf32>
    %add3A_69 = arith.addf %add3A_48, %dot_general3A_68 : vector<256x256xf32>
    %slice3A_70 = vector.extract_strided_slice %get3A_3 {offsets = [48, 0], sizes = [16, 1024], strides = [1, 1]} : vector<128x1024xf32> to vector<16x1024xf32>
    %slice3A_71 = vector.extract_strided_slice %get3A_6 {offsets = [48, 0], sizes = [16, 1024], strides = [1, 1]} : vector<128x1024xf32> to vector<16x1024xf32>
    %broadcast_in_dim3A_72 = vector.shape_cast %slice3A_70 : vector<16x1024xf32> to vector<16x1x1024xf32>
    %broadcast_in_dim3A_73 = vector.shape_cast %broadcast_in_dim3A_72 : vector<16x1x1024xf32> to vector<16x1x1024xf32>
    %broadcast_in_dim3A_74 = vector.broadcast %broadcast_in_dim3A_73 : vector<16x1x1024xf32> to vector<16x16x1024xf32>
    %reshape3A_75 = vector.shape_cast %broadcast_in_dim3A_74 : vector<16x16x1024xf32> to vector<256x1024xf32>
    %broadcast_in_dim3A_76 = vector.shape_cast %slice3A_71 : vector<16x1024xf32> to vector<16x1x1024xf32>
    %broadcast_in_dim3A_77 = vector.shape_cast %broadcast_in_dim3A_76 : vector<16x1x1024xf32> to vector<16x1x1024xf32>
    %broadcast_in_dim3A_78 = vector.broadcast %broadcast_in_dim3A_77 : vector<16x1x1024xf32> to vector<16x16x1024xf32>
    %reshape3A_79 = vector.shape_cast %broadcast_in_dim3A_78 : vector<16x16x1024xf32> to vector<256x1024xf32>
    %eq3A_80 = arith.cmpf oeq, %reshape3A_75, %convert_element_type3A_9 : vector<256x1024xf32>
    %convert_element_type3A_81 = arith.extui %eq3A_80 : vector<256x1024xi1> to vector<256x1024xi32>
    %convert_element_type3A_82 = arith.sitofp %convert_element_type3A_81 : vector<256x1024xi32> to vector<256x1024xf32>
    %convert_element_type3A_83 = arith.truncf %convert_element_type3A_82 : vector<256x1024xf32> to vector<256x1024xbf16>
    %eq3A_84 = arith.cmpf oeq, %reshape3A_79, %convert_element_type3A_9 : vector<256x1024xf32>
    %convert_element_type3A_85 = arith.extui %eq3A_84 : vector<256x1024xi1> to vector<256x1024xi32>
    %convert_element_type3A_86 = arith.sitofp %convert_element_type3A_85 : vector<256x1024xi32> to vector<256x1024xf32>
    %convert_element_type3A_87 = arith.truncf %convert_element_type3A_86 : vector<256x1024xf32> to vector<256x1024xbf16>
    %dot_general3A_88 = arith.constant dense<0.000000e+00> : vector<256x256xf32>
    %dot_general3A_89 = tpu.matmul %convert_element_type3A_83, %convert_element_type3A_87, %dot_general3A_88 {dimension_numbers = #tpu.dot_dimension_numbers<[1], [1], [0], [0], [0, 0, 1, 0], [], []>, transpose_lhs_hint = false} : vector<256x1024xbf16>, vector<256x1024xbf16>, vector<256x256xf32> -> vector<256x256xf32>
    %add3A_90 = arith.addf %add3A_69, %dot_general3A_89 : vector<256x256xf32>
    %slice3A_91 = vector.extract_strided_slice %get3A_3 {offsets = [64, 0], sizes = [16, 1024], strides = [1, 1]} : vector<128x1024xf32> to vector<16x1024xf32>
    %slice3A_92 = vector.extract_strided_slice %get3A_6 {offsets = [64, 0], sizes = [16, 1024], strides = [1, 1]} : vector<128x1024xf32> to vector<16x1024xf32>
    %broadcast_in_dim3A_93 = vector.shape_cast %slice3A_91 : vector<16x1024xf32> to vector<16x1x1024xf32>
    %broadcast_in_dim3A_94 = vector.shape_cast %broadcast_in_dim3A_93 : vector<16x1x1024xf32> to vector<16x1x1024xf32>
    %broadcast_in_dim3A_95 = vector.broadcast %broadcast_in_dim3A_94 : vector<16x1x1024xf32> to vector<16x16x1024xf32>
    %reshape3A_96 = vector.shape_cast %broadcast_in_dim3A_95 : vector<16x16x1024xf32> to vector<256x1024xf32>
    %broadcast_in_dim3A_97 = vector.shape_cast %slice3A_92 : vector<16x1024xf32> to vector<16x1x1024xf32>
    %broadcast_in_dim3A_98 = vector.shape_cast %broadcast_in_dim3A_97 : vector<16x1x1024xf32> to vector<16x1x1024xf32>
    %broadcast_in_dim3A_99 = vector.broadcast %broadcast_in_dim3A_98 : vector<16x1x1024xf32> to vector<16x16x1024xf32>
    %reshape3A_100 = vector.shape_cast %broadcast_in_dim3A_99 : vector<16x16x1024xf32> to vector<256x1024xf32>
    %eq3A_101 = arith.cmpf oeq, %reshape3A_96, %convert_element_type3A_9 : vector<256x1024xf32>
    %convert_element_type3A_102 = arith.extui %eq3A_101 : vector<256x1024xi1> to vector<256x1024xi32>
    %convert_element_type3A_103 = arith.sitofp %convert_element_type3A_102 : vector<256x1024xi32> to vector<256x1024xf32>
    %convert_element_type3A_104 = arith.truncf %convert_element_type3A_103 : vector<256x1024xf32> to vector<256x1024xbf16>
    %eq3A_105 = arith.cmpf oeq, %reshape3A_100, %convert_element_type3A_9 : vector<256x1024xf32>
    %convert_element_type3A_106 = arith.extui %eq3A_105 : vector<256x1024xi1> to vector<256x1024xi32>
    %convert_element_type3A_107 = arith.sitofp %convert_element_type3A_106 : vector<256x1024xi32> to vector<256x1024xf32>
    %convert_element_type3A_108 = arith.truncf %convert_element_type3A_107 : vector<256x1024xf32> to vector<256x1024xbf16>
    %dot_general3A_109 = arith.constant dense<0.000000e+00> : vector<256x256xf32>
    %dot_general3A_110 = tpu.matmul %convert_element_type3A_104, %convert_element_type3A_108, %dot_general3A_109 {dimension_numbers = #tpu.dot_dimension_numbers<[1], [1], [0], [0], [0, 0, 1, 0], [], []>, transpose_lhs_hint = false} : vector<256x1024xbf16>, vector<256x1024xbf16>, vector<256x256xf32> -> vector<256x256xf32>
    %add3A_111 = arith.addf %add3A_90, %dot_general3A_110 : vector<256x256xf32>
    %slice3A_112 = vector.extract_strided_slice %get3A_3 {offsets = [80, 0], sizes = [16, 1024], strides = [1, 1]} : vector<128x1024xf32> to vector<16x1024xf32>
    %slice3A_113 = vector.extract_strided_slice %get3A_6 {offsets = [80, 0], sizes = [16, 1024], strides = [1, 1]} : vector<128x1024xf32> to vector<16x1024xf32>
    %broadcast_in_dim3A_114 = vector.shape_cast %slice3A_112 : vector<16x1024xf32> to vector<16x1x1024xf32>
    %broadcast_in_dim3A_115 = vector.shape_cast %broadcast_in_dim3A_114 : vector<16x1x1024xf32> to vector<16x1x1024xf32>
    %broadcast_in_dim3A_116 = vector.broadcast %broadcast_in_dim3A_115 : vector<16x1x1024xf32> to vector<16x16x1024xf32>
    %reshape3A_117 = vector.shape_cast %broadcast_in_dim3A_116 : vector<16x16x1024xf32> to vector<256x1024xf32>
    %broadcast_in_dim3A_118 = vector.shape_cast %slice3A_113 : vector<16x1024xf32> to vector<16x1x1024xf32>
    %broadcast_in_dim3A_119 = vector.shape_cast %broadcast_in_dim3A_118 : vector<16x1x1024xf32> to vector<16x1x1024xf32>
    %broadcast_in_dim3A_120 = vector.broadcast %broadcast_in_dim3A_119 : vector<16x1x1024xf32> to vector<16x16x1024xf32>
    %reshape3A_121 = vector.shape_cast %broadcast_in_dim3A_120 : vector<16x16x1024xf32> to vector<256x1024xf32>
    %eq3A_122 = arith.cmpf oeq, %reshape3A_117, %convert_element_type3A_9 : vector<256x1024xf32>
    %convert_element_type3A_123 = arith.extui %eq3A_122 : vector<256x1024xi1> to vector<256x1024xi32>
    %convert_element_type3A_124 = arith.sitofp %convert_element_type3A_123 : vector<256x1024xi32> to vector<256x1024xf32>
    %convert_element_type3A_125 = arith.truncf %convert_element_type3A_124 : vector<256x1024xf32> to vector<256x1024xbf16>
    %eq3A_126 = arith.cmpf oeq, %reshape3A_121, %convert_element_type3A_9 : vector<256x1024xf32>
    %convert_element_type3A_127 = arith.extui %eq3A_126 : vector<256x1024xi1> to vector<256x1024xi32>
    %convert_element_type3A_128 = arith.sitofp %convert_element_type3A_127 : vector<256x1024xi32> to vector<256x1024xf32>
    %convert_element_type3A_129 = arith.truncf %convert_element_type3A_128 : vector<256x1024xf32> to vector<256x1024xbf16>
    %dot_general3A_130 = arith.constant dense<0.000000e+00> : vector<256x256xf32>
    %dot_general3A_131 = tpu.matmul %convert_element_type3A_125, %convert_element_type3A_129, %dot_general3A_130 {dimension_numbers = #tpu.dot_dimension_numbers<[1], [1], [0], [0], [0, 0, 1, 0], [], []>, transpose_lhs_hint = false} : vector<256x1024xbf16>, vector<256x1024xbf16>, vector<256x256xf32> -> vector<256x256xf32>
    %add3A_132 = arith.addf %add3A_111, %dot_general3A_131 : vector<256x256xf32>
    %slice3A_133 = vector.extract_strided_slice %get3A_3 {offsets = [96, 0], sizes = [16, 1024], strides = [1, 1]} : vector<128x1024xf32> to vector<16x1024xf32>
    %slice3A_134 = vector.extract_strided_slice %get3A_6 {offsets = [96, 0], sizes = [16, 1024], strides = [1, 1]} : vector<128x1024xf32> to vector<16x1024xf32>
    %broadcast_in_dim3A_135 = vector.shape_cast %slice3A_133 : vector<16x1024xf32> to vector<16x1x1024xf32>
    %broadcast_in_dim3A_136 = vector.shape_cast %broadcast_in_dim3A_135 : vector<16x1x1024xf32> to vector<16x1x1024xf32>
    %broadcast_in_dim3A_137 = vector.broadcast %broadcast_in_dim3A_136 : vector<16x1x1024xf32> to vector<16x16x1024xf32>
    %reshape3A_138 = vector.shape_cast %broadcast_in_dim3A_137 : vector<16x16x1024xf32> to vector<256x1024xf32>
    %broadcast_in_dim3A_139 = vector.shape_cast %slice3A_134 : vector<16x1024xf32> to vector<16x1x1024xf32>
    %broadcast_in_dim3A_140 = vector.shape_cast %broadcast_in_dim3A_139 : vector<16x1x1024xf32> to vector<16x1x1024xf32>
    %broadcast_in_dim3A_141 = vector.broadcast %broadcast_in_dim3A_140 : vector<16x1x1024xf32> to vector<16x16x1024xf32>
    %reshape3A_142 = vector.shape_cast %broadcast_in_dim3A_141 : vector<16x16x1024xf32> to vector<256x1024xf32>
    %eq3A_143 = arith.cmpf oeq, %reshape3A_138, %convert_element_type3A_9 : vector<256x1024xf32>
    %convert_element_type3A_144 = arith.extui %eq3A_143 : vector<256x1024xi1> to vector<256x1024xi32>
    %convert_element_type3A_145 = arith.sitofp %convert_element_type3A_144 : vector<256x1024xi32> to vector<256x1024xf32>
    %convert_element_type3A_146 = arith.truncf %convert_element_type3A_145 : vector<256x1024xf32> to vector<256x1024xbf16>
    %eq3A_147 = arith.cmpf oeq, %reshape3A_142, %convert_element_type3A_9 : vector<256x1024xf32>
    %convert_element_type3A_148 = arith.extui %eq3A_147 : vector<256x1024xi1> to vector<256x1024xi32>
    %convert_element_type3A_149 = arith.sitofp %convert_element_type3A_148 : vector<256x1024xi32> to vector<256x1024xf32>
    %convert_element_type3A_150 = arith.truncf %convert_element_type3A_149 : vector<256x1024xf32> to vector<256x1024xbf16>
    %dot_general3A_151 = arith.constant dense<0.000000e+00> : vector<256x256xf32>
    %dot_general3A_152 = tpu.matmul %convert_element_type3A_146, %convert_element_type3A_150, %dot_general3A_151 {dimension_numbers = #tpu.dot_dimension_numbers<[1], [1], [0], [0], [0, 0, 1, 0], [], []>, transpose_lhs_hint = false} : vector<256x1024xbf16>, vector<256x1024xbf16>, vector<256x256xf32> -> vector<256x256xf32>
    %add3A_153 = arith.addf %add3A_132, %dot_general3A_152 : vector<256x256xf32>
    %slice3A_154 = vector.extract_strided_slice %get3A_3 {offsets = [112, 0], sizes = [16, 1024], strides = [1, 1]} : vector<128x1024xf32> to vector<16x1024xf32>
    %slice3A_155 = vector.extract_strided_slice %get3A_6 {offsets = [112, 0], sizes = [16, 1024], strides = [1, 1]} : vector<128x1024xf32> to vector<16x1024xf32>
    %broadcast_in_dim3A_156 = vector.shape_cast %slice3A_154 : vector<16x1024xf32> to vector<16x1x1024xf32>
    %broadcast_in_dim3A_157 = vector.shape_cast %broadcast_in_dim3A_156 : vector<16x1x1024xf32> to vector<16x1x1024xf32>
    %broadcast_in_dim3A_158 = vector.broadcast %broadcast_in_dim3A_157 : vector<16x1x1024xf32> to vector<16x16x1024xf32>
    %reshape3A_159 = vector.shape_cast %broadcast_in_dim3A_158 : vector<16x16x1024xf32> to vector<256x1024xf32>
    %broadcast_in_dim3A_160 = vector.shape_cast %slice3A_155 : vector<16x1024xf32> to vector<16x1x1024xf32>
    %broadcast_in_dim3A_161 = vector.shape_cast %broadcast_in_dim3A_160 : vector<16x1x1024xf32> to vector<16x1x1024xf32>
    %broadcast_in_dim3A_162 = vector.broadcast %broadcast_in_dim3A_161 : vector<16x1x1024xf32> to vector<16x16x1024xf32>
    %reshape3A_163 = vector.shape_cast %broadcast_in_dim3A_162 : vector<16x16x1024xf32> to vector<256x1024xf32>
    %eq3A_164 = arith.cmpf oeq, %reshape3A_159, %convert_element_type3A_9 : vector<256x1024xf32>
    %convert_element_type3A_165 = arith.extui %eq3A_164 : vector<256x1024xi1> to vector<256x1024xi32>
    %convert_element_type3A_166 = arith.sitofp %convert_element_type3A_165 : vector<256x1024xi32> to vector<256x1024xf32>
    %convert_element_type3A_167 = arith.truncf %convert_element_type3A_166 : vector<256x1024xf32> to vector<256x1024xbf16>
    %eq3A_168 = arith.cmpf oeq, %reshape3A_163, %convert_element_type3A_9 : vector<256x1024xf32>
    %convert_element_type3A_169 = arith.extui %eq3A_168 : vector<256x1024xi1> to vector<256x1024xi32>
    %convert_element_type3A_170 = arith.sitofp %convert_element_type3A_169 : vector<256x1024xi32> to vector<256x1024xf32>
    %convert_element_type3A_171 = arith.truncf %convert_element_type3A_170 : vector<256x1024xf32> to vector<256x1024xbf16>
    %dot_general3A_172 = arith.constant dense<0.000000e+00> : vector<256x256xf32>
    %dot_general3A_173 = tpu.matmul %convert_element_type3A_167, %convert_element_type3A_171, %dot_general3A_172 {dimension_numbers = #tpu.dot_dimension_numbers<[1], [1], [0], [0], [0, 0, 1, 0], [], []>, transpose_lhs_hint = false} : vector<256x1024xbf16>, vector<256x1024xbf16>, vector<256x256xf32> -> vector<256x256xf32>
    %add3A_174 = arith.addf %add3A_153, %dot_general3A_173 : vector<256x256xf32>
    %get3A_175 = arith.constant 0 : index
    %get3A_176 = arith.constant 0 : index
    %get3A_177 = vector.load %arg4[%get3A_175, %get3A_176] : memref<256x256xf32, #tpu.memory_space<vmem>>, vector<256x256xf32>
    %add3A_178 = arith.addf %get3A_177, %add3A_174 : vector<256x256xf32>
    %swap3A = arith.constant 0 : index
    %swap3A_179 = arith.constant 0 : index
    %swap3A_180 = vector.load %arg4[%swap3A, %swap3A_179] : memref<256x256xf32, #tpu.memory_space<vmem>>, vector<256x256xf32>
    tpu.vector_store %arg4[%swap3A, %swap3A_179], %add3A_178 {strides = array<i32>} : memref<256x256xf32, #tpu.memory_space<vmem>>, vector<256x256xf32>,
    %eq3A_181 = arith.constant 3 : i32
    %eq3A_182 = arith.cmpi eq, %arg0, %eq3A_181 : i32
    %convert_element_type3A_183 = arith.extui %eq3A_182 : i1 to i32
    %cond3A_184 = arith.constant 0 : i32
    %cond3A_185 = arith.cmpi ne, %convert_element_type3A_183, %cond3A_184 : i32
    scf.if %cond3A_185 {
      %get3A_186 = arith.constant 0 : index
      %get3A_187 = arith.constant 0 : index
      %get3A_188 = vector.load %arg4[%get3A_186, %get3A_187] : memref<256x256xf32, #tpu.memory_space<vmem>>, vector<256x256xf32>
      %iota3A_189 = tpu.iota {dimensions = array<i32: 0>} : vector<256x256xi32>
      %iota3A_190 = tpu.iota {dimensions = array<i32: 1>} : vector<256x256xi32>
      %shift_right_arithmetic3A = arith.constant 4 : i32
      %shift_right_arithmetic3A_191 = vector.broadcast %shift_right_arithmetic3A : i32 to vector<256x256xi32>
      %shift_right_arithmetic3A_192 = arith.shrsi %iota3A_189, %shift_right_arithmetic3A_191 : vector<256x256xi32>
      %shift_right_arithmetic3A_193 = arith.constant 4 : i32
      %shift_right_arithmetic3A_194 = vector.broadcast %shift_right_arithmetic3A_193 : i32 to vector<256x256xi32>
      %shift_right_arithmetic3A_195 = arith.shrsi %iota3A_190, %shift_right_arithmetic3A_194 : vector<256x256xi32>
      %eq3A_196 = arith.cmpi eq, %shift_right_arithmetic3A_192, %shift_right_arithmetic3A_195 : vector<256x256xi32>
      %jit3A = arith.constant 0.000000e+00 : f32
      %broadcast_in_dim3A_197 = vector.broadcast %jit3A : f32 to vector<256x256xf32>
      %select_n3A = arith.select %eq3A_196, %get3A_188, %broadcast_in_dim3A_197 : vector<256x256xi1>, vector<256x256xf32>
      %iota3A_198 = tpu.iota {dimensions = array<i32: 0>} : vector<256x16xi32>
      %iota3A_199 = tpu.iota {dimensions = array<i32: 1>} : vector<256x16xi32>
      %and3A_200 = arith.constant 15 : i32
      %and3A_201 = vector.broadcast %and3A_200 : i32 to vector<256x16xi32>
      %and3A_202 = arith.andi %iota3A_198, %and3A_201 : vector<256x16xi32>
      %eq3A_203 = arith.cmpi eq, %and3A_202, %iota3A_199 : vector<256x16xi32>
      %convert_element_type3A_204 = arith.extui %eq3A_203 : vector<256x16xi1> to vector<256x16xi32>
      %convert_element_type3A_205 = arith.sitofp %convert_element_type3A_204 : vector<256x16xi32> to vector<256x16xf32>
      %dot_general3A_206 = arith.constant dense<0.000000e+00> : vector<256x16xf32>
      %dot_general3A_207 = tpu.matmul %select_n3A, %convert_element_type3A_205, %dot_general3A_206 {dimension_numbers = #tpu.dot_dimension_numbers<[1], [0], [0], [1], [0, 0, 1, 1], [], []>, transpose_lhs_hint = false} : vector<256x256xf32>, vector<256x16xf32>, vector<256x16xf32> -> vector<256x16xf32>
      %dot_general3A_208 = arith.constant dense<0.000000e+00> : vector<16x16xf32>
      %dot_general3A_209 = tpu.matmul %convert_element_type3A_205, %dot_general3A_207, %dot_general3A_208 {dimension_numbers = #tpu.dot_dimension_numbers<[0], [0], [1], [1], [0, 1, 1, 1], [], []>, transpose_lhs_hint = false} : vector<256x16xf32>, vector<256x16xf32>, vector<16x16xf32> -> vector<16x16xf32>
      %swap3A_210 = arith.constant 0 : index
      %swap3A_211 = arith.constant 0 : index
      %swap3A_212 = vector.load %arg3[%swap3A_210, %swap3A_211] : memref<16x16xf32, #tpu.memory_space<vmem>>, vector<16x16xf32>
      tpu.vector_store %arg3[%swap3A_210, %swap3A_211], %dot_general3A_209 {strides = array<i32>} : memref<16x16xf32, #tpu.memory_space<vmem>>, vector<16x16xf32>,
    } else {
    }
    return
  }
  func.func @transform_0(%arg0: i32) -> (i32, i32) {
    %add3A = arith.constant 4 : i32
    %add3A_0 = arith.addi %arg0, %add3A : i32
    %c0_i32 = arith.constant 0 : i32
    %c0_i32_1 = arith.constant 0 : i32
    return %add3A_0, %c0_i32 : i32, i32
  }
  func.func @transform_1(%arg0: i32) -> (i32, i32) {
    %add3A = arith.constant 4 : i32
    %add3A_0 = arith.addi %arg0, %add3A : i32
    %c0_i32 = arith.constant 0 : i32
    %c0_i32_1 = arith.constant 0 : i32
    return %add3A_0, %c0_i32 : i32, i32
  }
  func.func @transform_2(%arg0: i32) -> (i32, i32) {
    %c0_i32 = arith.constant 0 : i32
    %c0_i32_0 = arith.constant 0 : i32
    %c0_i32_1 = arith.constant 0 : i32
    return %c0_i32, %c0_i32_0 : i32, i32
  }
}

</mosaic_0001>

<sc_bundles>
// kernel: kernel.5.cloned.1.call-start
scs
__scs_entry_jumppad:
0x0: {  	(pc) =	sbr.rel $0x88, $3  }
0x1: {  	(tag) =	ssettag $0x0;
	lr =	simm.s32 $0x1  }
0x2: {  	[smem:$0x3F9F] =	sst lr;
	_ =	strace $0xD0000000  }
0x3: {  	_ = 	snop  }
0x4: {  	_ = 	snop  }
0x5: {  	_ = 	snop  }
0x6: {  	_ = 	snop  }
0x7: {  	_ = 	snop  }
__scs_overlays_trampoline_lowered:
0x8: {  	[smem:$0x3FAE] =	sst s0  }
0x9: {  	[smem:$0x3FAF] =	sst s1  }
0xa: {  	[smem:$0x3FB0] =	sst s2  }
0xb: {  	[smem:$0x3FB1] =	sst s3  }
0xc: {  	[smem:$0x3FB2] =	sst s4  }
0xd: {  	[smem:$0x3FB3] =	sst s5  }
0xe: {  	[smem:$0x3FB4] =	sst s6  }
0xf: {  	[smem:$0x3FB5] =	sst s7  }
0x10: {  	[smem:$0x3FB6] =	sst s8  }
0x11: {  	[smem:$0x3FB7] =	sst s9;
	s0 =	simm.s32 @!p0 $0x0  }
0x12: {  	s1 =	sld [smem:$0x3F9D];
	s0 =	simm.s32 @p0 $0x1  }
0x13: {  	[smem:$0x3FB8] =	sst s0;
	s0 =	simm.s32 @!p1 $0x0  }
0x14: {  	s2 =	sld [smem:$0x3F9C];
	s0 =	simm.s32 @p1 $0x1  }
0x15: {  	[smem:$0x3FB9] =	sst s0;
	s0 =	simm.s32 @!p2 $0x0  }
0x16: {  	s3 =	sld [smem:$0x3FDB];
	s0 =	simm.s32 @p2 $0x1  }
0x17: {  	s4 =	simm.s32 $0x1BF5;
	[smem:$0x3FBB] =	sst s0  }
0x18: {  	s0 =	sld [smem:$0x3F9E];
	_ =	swait.ge [sflag:s4], $0x0  }
0x19: {  	s7 =	sld [smem:$0x3F9F]  }
0x1a: {  	s8 =	sadd.s32 $0xFFFFE003, lr  }
0x1b: {  	s9 =	sadd.s32 $0xFFFFFEF7, lr;
	s5 =	simm.s32 $0xFFFFFFFF;
	p2 =	slt.u32 s8, $0xFFFFF086  }
0x1c: {  	p1 =	slt.u32 s9, $0xF7A;
	s5 =	simm.s32 @!p2 $0x0  }
0x1d: {  	s5 =	simm.s32 @p1 $0x1;
	p0 =	seq.s32 s7, s2  }
0x1e: {  	s7 =	smul.u32 @!p0 $0xF7A, s2;
	p2 =	seq.s32 @!p0 s5, $0x0  }
0x1f: {  	s9 =	smul.u32 $0xF7A, s1;
	s8 =	simm.s32 @!p0 $0x1BF5;
	p2 =	por !p2, p0  }
0x20: {  	[sflag:s8] =	ssyncset.s32 @!p0 $0xFFFFF086;
	s6 =	sadd.s32 @!p0 s3, s7;
	s7 =	simm.s32 @!p0 $0x108  }
0x21: {  	s3 =	sadd.s32 s3, s9;
	s6 =	sadd.s32 @!p0 $0x88, s6;
	s7 =	simm.s32 @p2 $0x1082  }
0x22: {  	[simem:s7], [sflag:s8] =	dma.local @!p0 [hbm:s6], $0xF7A  }
0x23: {  	s9 =	sor.u32 $0xD0000000, s2;
	s6 =	simm.s32 $0x108;
	_ =	swait.ge @!p0 [sflag:s8], $0x0  }
0x24: {  	s3 =	sadd.s32 $0x88, s3;
	s6 =	simm.s32 @!p1 $0x1082;
	[sflag:s4] =	ssyncset.s32 $0xFFFFF086  }
0x25: {  	[simem:s6], [sflag:s4] =	dma.local [hbm:s3], $0xF7A  }
0x26: {  	[smem:$0x3F9F] =	sst s1;
	(tag) =	ssettag s2;
	_ =	strace s9  }
0x27: {  	s1 =	sld [smem:$0x3FAF]  }
0x28: {  	s2 =	sld [smem:$0x3FB0]  }
0x29: {  	s4 =	sld [smem:$0x3FB2]  }
0x2a: {  	p0 =	seq.s32 s5, $0x0;
	s5 =	sld [smem:$0x3FB3]  }
0x2b: {  	s6 =	sld [smem:$0x3FB4]  }
0x2c: {  	s7 =	sld [smem:$0x3FB5]  }
0x2d: {  	s3 =	simm.s32 $0x108;
	s8 =	sld [smem:$0x3FB6]  }
0x2e: {  	s3 =	simm.s32 @!p0 $0x1082;
	s9 =	sld [smem:$0x3FB7]  }
0x2f: {  	lr =	sadd.s32 s0, s3;
	s0 =	sld [smem:$0x3FAE]  }
0x30: {  	s3 =	sld [smem:$0x3FB1]  }
0x31: {  	[smem:$0x3FBA] =	sst s10  }
0x32: {  	s10 =	sld [smem:$0x3FB8];
	_ =	sdelay $0x3  }
0x33: {  	p0 =	seq.s32 s10, $0x1;
	s10 =	sld [smem:$0x3FBA];
	_ =	sdelay $0x3  }
0x34: {  	[smem:$0x3FBA] =	sst s10  }
0x35: {  	s10 =	sld [smem:$0x3FB9];
	_ =	sdelay $0x3  }
0x36: {  	p1 =	seq.s32 s10, $0x1;
	s10 =	sld [smem:$0x3FBA];
	_ =	sdelay $0x3  }
0x37: {  	[smem:$0x3FBA] =	sst s10  }
0x38: {  	s10 =	sld [smem:$0x3FBB]  }
0x39: {  	_ = 	snop;
	(pc) =	sbr.ind lr, $3  }
0x3a: {  	_ = 	snop  }
0x3b: {  	_ = 	snop  }
0x3c: {  	p2 =	seq.s32 s10, $0x1;
	s10 =	sld [smem:$0x3FBA]  }
0x3d: {  	_ =	shalt  }
0x3e: {  	_ =	shalt  }
0x3f: {  	_ =	shalt  }
0x40: {  	_ =	shalt  }
0x41: {  	_ =	shalt  }
0x42: {  	_ =	shalt  }
0x43: {  	_ =	shalt  }
0x44: {  	_ =	shalt  }
0x45: {  	_ =	shalt  }
0x46: {  	_ =	shalt  }
0x47: {  	_ =	shalt  }
0x48: {  	_ =	shalt  }
0x49: {  	_ =	shalt  }
0x4a: {  	_ =	shalt  }
0x4b: {  	_ =	shalt  }
0x4c: {  	_ =	shalt  }
0x4d: {  	_ =	shalt  }
0x4e: {  	_ =	shalt  }
0x4f: {  	_ =	shalt  }
0x50: {  	_ =	shalt  }
0x51: {  	_ =	shalt  }
0x52: {  	_ =	shalt  }
0x53: {  	_ =	shalt  }
0x54: {  	_ =	shalt  }
0x55: {  	_ =	shalt  }
0x56: {  	_ =	shalt  }
0x57: {  	_ =	shalt  }
0x58: {  	_ =	shalt  }
0x59: {  	_ =	shalt  }
0x5a: {  	_ =	shalt  }
0x5b: {  	_ =	shalt  }
0x5c: {  	_ =	shalt  }
0x5d: {  	_ =	shalt  }
0x5e: {  	_ =	shalt  }
0x5f: {  	_ =	shalt  }
0x60: {  	_ =	shalt  }
0x61: {  	_ =	shalt  }
0x62: {  	_ =	shalt  }
0x63: {  	_ =	shalt  }
0x64: {  	_ =	shalt  }
0x65: {  	_ =	shalt  }
0x66: {  	_ =	shalt  }
0x67: {  	_ =	shalt  }
0x68: {  	_ =	shalt  }
0x69: {  	_ =	shalt  }
0x6a: {  	_ =	shalt  }
0x6b: {  	_ =	shalt  }
0x6c: {  	_ =	shalt  }
0x6d: {  	_ =	shalt  }
0x6e: {  	_ =	shalt  }
0x6f: {  	_ =	shalt  }
0x70: {  	_ =	shalt  }
0x71: {  	_ =	shalt  }
0x72: {  	_ =	shalt  }
0x73: {  	_ =	shalt  }
0x74: {  	_ =	shalt  }
0x75: {  	_ =	shalt  }
0x76: {  	_ =	shalt  }
0x77: {  	_ =	shalt  }
0x78: {  	_ =	shalt  }
0x79: {  	_ =	shalt  }
0x7a: {  	_ =	shalt  }
0x7b: {  	_ =	shalt  }
0x7c: {  	_ =	shalt  }
0x7d: {  	_ =	shalt  }
0x7e: {  	_ =	shalt  }
0x7f: {  	_ =	shalt  }
0x80: {  	_ =	shalt  }
0x81: {  	_ =	shalt  }
0x82: {  	_ =	shalt  }
0x83: {  	_ =	shalt  }
0x84: {  	_ =	shalt  }
0x85: {  	_ =	shalt  }
0x86: {  	_ =	shalt  }
0x87: {  	_ =	shalt  }
.Lfunc_end0:
.L_simem_size_0:
called_computation_lowered:
.L_overlay_start_0:
0x88: {  	s2 =	sld [smem:$0x3FD9]  }
0x89: {  	s3 =	sld [smem:$0x3FFE];
	_ =	sdelay $0x1  }
0x8a: {  	s1 =	srdreg.scid  }
0x8b: {  	s0 =	sand.u32 $0x1, s1  }
0x8c: {  	s17 =	sshll.u32 s0, $0xA;
	s2 =	sadd.s32 s3, s2  }
0x8d: {  	s2 =	sadd.s32 s2, s17  }
0x8e: {  	[smem:$0x3FC6] =	sst s2  }
0x8f: {  	_ = 	snop  }
0x90: {  	s2 =	sld [smem:$0x3FC9]  }
0x91: {  	s18 =	sld [smem:$0x3FC8];
	(tm) =	ssettm $0x1  }
0x92: {  	s4 =	sld [smem:$0x3FFB];
	_ =	sdelay $0x3  }
0x93: {  	_ =	strace s4  }
0x94: {  	s4 =	sld [smem:$0x3FFC];
	_ =	sdelay $0x3  }
0x95: {  	_ =	strace s4  }
0x96: {  	s4 =	sld [smem:$0x3FFD];
	_ =	sdelay $0x3  }
0x97: {  	_ =	strace s4  }
0x98: {  	_ =	strace $0x8FFFFFFF  }
0x99: {  	s19 =	sld [smem:$0x3FDB];
	_ =	sdelay $0x1  }
0x9a: {  	s5 =	simm.s32 $_scs_section_size  }
0x9b: {  	s6 =	simm.s32 $_size__tile_overlayer_lowered;
	s7 =	simm.s32 $_tile_overlayer_lowered  }
0x9c: {  	s22 =	simm.s32 $0x1BFF;
	s21 =	sshll.u32 s7, $0x1;
	s4 =	sadd.s32 s5, s19  }
0x9d: {  	s8 =	simm.s32 $0x0;
	s20 =	sshll.u32 s6, $0x1;
	s6 =	sadd.s32 s21, s4  }
0x9e: {  	[timem:s8], [sflag:s22] =	dma.local [hbm:s6], s20  }
0x9f: {  	_ =	swait.ge [sflag:s22], s20  }
0xa0: {  	s5 =	ssub.s32 $0x0, s20;
	[sflag:s22] =	ssyncset.done $0x0  }
0xa1: {  	[sflag:s22] =	ssyncadd.s32 s5;
	_ =	sdelay $0x1  }
0xa2: {  	s23 =	simm.s32 $0x1B8B  }
0xa3: {  	_ =	swait.ge [sflag:s23], $0x1  }
0xa4: {  	[sflag:s23] =	ssyncset.done $0x0  }
0xa5: {  	s25 =	simm.s32 $0x1B8E;
	s24 =	sld [smem:$0x3FFE];
	[sflag:s23] =	ssyncadd.s32 $0xFFFFFFFF  }
0xa6: {  	s26 =	simm.s32 $execute0_lowered;
	[smem:$0x3FD2] =	sst s25  }
0xa7: {  	s6 =	sshll.u32 s26, $0x1;
	_ =	strace $0x80000046;
	[dreg:$0x1] =	wrdreg $0xFFFFFFFF  }
0xa8: {  	s28 =	simm.s32 $_size_execute0_lowered;
	s4 =	sadd.s32 s4, s6;
	[dreg:$0x0] =	wrdreg $0x0  }
0xa9: {  	s6 =	sshll.u32 s28, $0x1;
	[dreg:$0x2] =	wrdreg s4  }
0xaa: {  	[dreg:$0x3] =	wrdreg s6  }
0xab: {  	[dreg:$0x4] =	wrdreg $0xC0  }
0xac: {  	_ =	task [dreg:s8], $0x5FFFF  }
0xad: {  	[dreg:$0x1] =	wrdreg $0xFFFFFFFF  }
0xae: {  	[dreg:$0x0] =	wrdreg $0x60  }
0xaf: {  	[dreg:$0x2] =	wrdreg s2  }
0xb0: {  	[dreg:$0x3] =	wrdreg s18  }
0xb1: {  	[dreg:$0x4] =	wrdreg s24  }
0xb2: {  	[dreg:$0x5] =	wrdreg $0x9  }
0xb3: {  	_ =	task.clear_ibuf [dreg:s8], $0x6FFFF;
	_ =	strace $0x90000046  }
0xb4: {  	s29 =	simm.s32 $0x9;
	_ =	strace $0x80000048  }
0xb5: {  	_ =	swait.ge [sflag:s29], $0x1  }
0xb6: {  	[sflag:s29] =	ssyncadd.s32 $0xFFFFFFFF  }
0xb7: {  	_ =	strace $0x90000048  }
0xb8: {  	_ =	sfence  }
0xb9: {  	s30 =	sld [smem:$0x0];
	_ =	sdelay $0x2  }
0xba: {  	s31 =	sshll.u32 s1, $0xD;
	s1 =	sshrl.u32 s1, $0x2  }
0xbb: {  	s3 =	sand.u32 $0x4000, s31;
	s1 =	sadd.s32 s1, s30  }
0xbc: {  	s0 =	sor.u32 s3, s0;
	s1 =	sshll.u32 s1, $0x11  }
0xbd: {  	s0 =	sor.u32 s1, s0  }
0xbe: {  	s0 =	sadd.s32 $0x8F2B, s0  }
0xbf: {  	[sflag:s0] =	ssyncadd.remote.s32 $0x1  }
0xc0: {  	_ =	sfence.sel $0xFFFF  }
0xc1: {  	[dreg:$0x0] =	wrdreg $0xFFFFFFFF;
	(pc) =	sbr.abs _section_cstart, $3  }
0xc2: {  	[dreg:$0x1] =	wrdreg $0xFFFFFFFF  }
0xc3: {  	_ =	task.clear_ibuf [dreg:s8], $0x2FFFF;
	_ =	strace $0x9FFFFFFF  }
0xc4: {  	(tm) =	ssettm $0x7FFFFFFF  }
0xc5: {  	_ =	shalt  }
tec
execute0_lowered:
.L_overlay_start_1:
0x0: {  	(tag) =	ssettag $0x1  }
0x1: {  	s5 =	rddreg [dreg:$0x0]  }
0x2: {  	s6 =	rddreg [dreg:$0x1]  }
0x3: {  	s3 =	rddreg [dreg:$0x2]  }
0x4: {  	s0 =	rddreg [dreg:$0x3];
	s2 =	simm.s32 $0x0;
	s1 =	stileid.u32  }
0x5: {  	s4 =	srdreg.scid;
	s11 =	simm.s32 $0x6000;
	s12 =	simm.s32 $0x1  }
0x6: {  	s13 =	simm.s32 $0x2;
	s14 =	simm.s32 $0x8000;
	s15 =	simm.s32 $0x3  }
0x7: {  	s16 =	simm.s32 $0x4;
	s17 =	simm.s32 $0x80;
	s18 =	simm.s32 $0x400  }
0x8: {  	s19 =	simm.s32 $0x9000;
	s20 =	simm.s32 $0x5;
	s21 =	simm.s32 $0x0  }
0x9: {  	[smem:$0x7FF] =	sst s2;
	s7 =	sshll.u32 s1, $0x6;
	s4 =	sand.u32 $0x1, s4  }
0xa: {  	s8 =	sshll.u32 s1, $0x1;
	_ =	strace $0x80000047;
	s7 =	sand.u32 $0x300, s7  }
0xb: {  	s9 =	ssub.s32 $0x2, s4;
	s4 =	sor.u32 s4, s8;
	s7 =	sadd.s32 s7, s3  }
0xc: {  	s31 =	sshrl.u32 s9, $0x1;
	s8 =	sshll.u32 s4, $0xB;
	s10 =	sshll.u32 s4, $0x4  }
0xd: {  	s3 =	sadd.s32 s5, s8;
	s4 =	sadd.s32 s6, s8;
	s8 =	sor.u32 $0x400, s8  }
0xe: {  	v1 =	vlaneseq.u32;
	s9 =	ssub.s32 s9, s31;
	s10 =	sand.u32 $0x70, s10;
	s5 =	sadd.s32 s5, s8  }
0xf: {  	v1 =	vmul.u32 $0x100, v1;
	s6 =	sadd.s32 s6, s8;
	s7 =	sadd.s32 s10, s7;
	s8 =	smax.u32 s9, $0x1  }
0x10: {  	v0 =	vimm.f32 $0.0e+00;
	v2 =	vimm.f32 $1.000000000e+00;
	s9 =	simm.s32 $0x2000;
	s10 =	simm.s32 $0x4000;
	s7 =	sadd.s32 $0xA00, s7  }
.LBB2_1:
0x11: {  	[tilespmem:s2], [sflag:$0x1] =	stream.linear.gather [hbm4b:s3+s2], $0x2000, $0x38;
	[tilespmem:$0x9100] =	vst v63  }
0x12: {  	s22 =	simm.s32 $0x40;
	s23 =	simm.s32 $0x0  }
0x13: {  	[tilespmem:s9], [sflag:$0x2] =	stream.linear.gather [hbm4b:s4+s2], $0x2000, $0x38;
	[tilespmem:$0x9100] =	vst v63  }
.LBB2_2:
0x14: {  	p0 =	sne.s32 s22, $0x3FC0;
	[tilespmem:s23+$0x8000] =	vst v0;
	s23 =	smov.u32 s22;
	s22 =	sadd.s32 $0x40, s22  }
.Ltmp0:
0x15: {  	(pc) =	sbr.rel @p0 .LBB2_2-.Ltmp0, $2  }
0x16: {  	_ =	sdelay $0x2  }
0x17: {  	s23 =	sshra.s32 s23, $0x2  }
0x18: {  	[tilespmem:s23+$0x8000] =	vst v0;
	s22 =	simm.s32 $0x0  }
0x19: {  	[tilespmem:s10], [sflag:$0x3] =	stream.linear.gather [hbm4b:s5+s22], $0x2000, $0x38;
	[tilespmem:$0x9100] =	vst v63  }
0x1a: {  	_ = 	snop  }
0x1b: {  	[tilespmem:s11], [sflag:$0x4] =	stream.linear.gather [hbm4b:s6+s22], $0x2000, $0x38;
	[tilespmem:$0x9100] =	vst v63  }
0x1c: {  	_ =	swait.ge [sflag:s12], $0x2000  }
0x1d: {  	[sflag:s12] =	ssyncset.done $0x0  }
0x1e: {  	[sflag:s12] =	ssyncadd.s32 $0xFFFFE000  }
0x1f: {  	s28 =	sand.u32 $0x1C00, s22;
	_ =	swait.ge [sflag:s13], $0x2000  }
0x20: {  	s24 =	sor.u32 s28, s22;
	[sflag:s13] =	ssyncset.done $0x0  }
0x21: {  	s24 =	sor.u32 $0x70, s24;
	[sflag:s13] =	ssyncadd.s32 $0xFFFFE000  }
0x22: {  	s22 =	sand.u32 $0x380, s22;
	v3 =	vld [tilespmem:s24+$0x0]  }
0x23: {  	s23 =	sor.u32 s22, s28;
	v4 =	vld [tilespmem:s24+$0x2000]  }
0x24: {  	v5 =	vld [tilespmem:s23+$0x0]  }
0x25: {  	v6 =	vld [tilespmem:s23+$0x10]  }
0x26: {  	v7 =	vld [tilespmem:s23+$0x20]  }
0x27: {  	v8 =	vld [tilespmem:s23+$0x30]  }
0x28: {  	v9 =	vld [tilespmem:s23+$0x40];
	v3 =	vmul.f32 $1.600000000e+01, v3  }
0x29: {  	v10 =	vld [tilespmem:s23+$0x60]  }
0x2a: {  	v11 =	vld [tilespmem:s23+$0x2000];
	v3 =	vadd.f32 v4, v3  }
0x2b: {  	v12 =	vld [tilespmem:s23+$0x2010]  }
0x2c: {  	s29 =	simm.s32 $0x400;
	s22 =	simm.s32 $0x10;
	v13 =	vld [tilespmem:s23+$0x2020];
	v3 =	vtrunc.f32 v3  }
0x2d: {  	s30 =	sand.u32 $0x1C00, s29;
	s25 =	sand.u32 $0x380, s22;
	v14 =	vld [tilespmem:s23+$0x2030];
	v3 =	vcvt.f32.s32 v3  }
0x2e: {  	v15 =	vld [tilespmem:s23+$0x2040];
	s24 =	sor.u32 s25, s30  }
0x2f: {  	v18 =	vld [tilespmem:s24+$0x50];
	v3 =	vadd.s32 v1, v3  }
0x30: {  	v16 =	vld [tilespmem:s23+$0x2050]  }
0x31: {  	v17 =	vld [tilespmem:s23+$0x2060];
	v9 =	vmul.f32 $1.600000000e+01, v9  }
0x32: {  	v5 =	vmul.f32 $1.600000000e+01, v5;
	v6 =	vmul.f32 $1.600000000e+01, v6;
	v4 =	vld [tilespmem:s23+$0x50]  }
0x33: {  	s31 =	sor.u32 s30, s22;
	v10 =	vmul.f32 $1.600000000e+01, v10;
	v9 =	vadd.f32 v15, v9;
	v15 =	vld [tilespmem:s24+$0x30]  }
0x34: {  	v18 =	vmul.f32 $1.600000000e+01, v18;
	s23 =	sor.u32 $0x70, s31;
	v5 =	vadd.f32 v11, v5;
	v6 =	vadd.f32 v12, v6;
	[tilespmem:v3+s14+$0x0] =	vst.idx.add.f32.msk $0xffff, v2  }
0x35: {  	v3 =	vmul.f32 $1.600000000e+01, v7;
	v7 =	vmul.f32 $1.600000000e+01, v8;
	v8 =	vld [tilespmem:s23+$0x0]  }
0x36: {  	v60 =	vld [tilespmem:s24+$0x40];
	v5 =	vtrunc.f32 v5;
	v6 =	vtrunc.f32 v6  }
0x37: {  	v12 =	vld [tilespmem:s23+$0x2000];
	v9 =	vtrunc.f32 v9;
	v4 =	vmul.f32 $1.600000000e+01, v4  }
0x38: {  	v5 =	vcvt.f32.s32 v5;
	v6 =	vcvt.f32.s32 v6  }
0x39: {  	v19 =	vld [tilespmem:s24+$0x2000];
	v9 =	vcvt.f32.s32 v9;
	v15 =	vmul.f32 $1.600000000e+01, v15;
	v4 =	vadd.f32 v16, v4  }
0x3a: {  	v11 =	vld [tilespmem:s24+$0x0];
	v3 =	vadd.f32 v13, v3;
	v7 =	vadd.f32 v14, v7;
	v8 =	vmul.f32 $1.600000000e+01, v8  }
0x3b: {  	v10 =	vadd.f32 v17, v10;
	v16 =	vmul.f32 $1.600000000e+01, v60;
	v4 =	vtrunc.f32 v4;
	v13 =	vld [tilespmem:s24+$0x10]  }
0x3c: {  	v14 =	vld [tilespmem:s24+$0x20];
	v3 =	vtrunc.f32 v3;
	v7 =	vtrunc.f32 v7;
	v8 =	vadd.f32 v12, v8  }
0x3d: {  	v61 =	vadd.s32 v1, v5;
	v3 =	vcvt.f32.s32 v3;
	v7 =	vcvt.f32.s32 v7;
	v12 =	vld [tilespmem:s24+$0x60]  }
0x3e: {  	v6 =	vadd.s32 v1, v6;
	v5 =	vtrunc.f32 v8;
	v8 =	vtrunc.f32 v10;
	v10 =	vld [tilespmem:s24+$0x2010]  }
0x3f: {  	v21 =	vadd.s32 v1, v3;
	v22 =	vadd.s32 v1, v7;
	v7 =	vld [tilespmem:s24+$0x2020];
	v20 =	vcvt.f32.s32 v5  }
0x40: {  	v3 =	vcvt.f32.s32 v8;
	v5 =	vadd.s32 v1, v9;
	v8 =	vmul.f32 $1.600000000e+01, v11;
	v9 =	vld [tilespmem:s24+$0x2030]  }
0x41: {  	v62 =	vld [tilespmem:s24+$0x2040];
	v4 =	vcvt.f32.s32 v4;
	v13 =	vmul.f32 $1.600000000e+01, v13  }
0x42: {  	v63 =	vld [tilespmem:s24+$0x2050];
	v14 =	vmul.f32 $1.600000000e+01, v14;
	v11 =	vadd.s32 v1, v20;
	v8 =	vadd.f32 v19, v8  }
0x43: {  	v4 =	vadd.s32 v1, v4;
	v3 =	vadd.s32 v1, v3;
	v10 =	vadd.f32 v10, v13;
	v13 =	vld [tilespmem:s24+$0x2060]  }
0x44: {  	[tilespmem:v61+s14+$0x0] =	vst.idx.add.f32.msk $0xffff, v2;
	v23 =	vmul.f32 $1.600000000e+01, v12;
	v12 =	vadd.f32 v7, v14;
	v8 =	vtrunc.f32 v8  }
0x45: {  	[tilespmem:v6+s14+$0x0] =	vst.idx.add.f32.msk $0xffff, v2;
	v8 =	vcvt.f32.s32 v8;
	v9 =	vadd.f32 v9, v15;
	v7 =	vtrunc.f32 v10  }
0x46: {  	[tilespmem:v21+s14+$0x0] =	vst.idx.add.f32.msk $0xffff, v2;
	v10 =	vtrunc.f32 v12;
	v12 =	vadd.f32 v62, v16;
	v7 =	vcvt.f32.s32 v7  }
0x47: {  	[tilespmem:v11+s14+$0x0] =	vst.idx.add.f32.msk $0xffff, v2;
	v6 =	vcvt.f32.s32 v10;
	v9 =	vtrunc.f32 v9;
	v11 =	vadd.f32 v63, v18  }
0x48: {  	s23 =	simm.s32 $0x8;
	[tilespmem:v22+s14+$0x0] =	vst.idx.add.f32.msk $0xffff, v2;
	s24 =	simm.s32 $0x800;
	v9 =	vcvt.f32.s32 v9;
	v12 =	vtrunc.f32 v12;
	v10 =	vadd.f32 v13, v23  }
.LBB2_4:
0x49: {  	s25 =	sand.u32 $0x1C00, s24;
	s23 =	sadd.s32 $0x8, s23;
	v8 =	vadd.s32 v1, v8;
	v12 =	vcvt.f32.s32 v12;
	v11 =	vtrunc.f32 v11;
	s22 =	sadd.s32 $0x10, s22;
	[tilespmem:v5+s14+$0x0] =	vst.idx.add.f32.msk $0xffff, v2  }
0x4a: {  	v13 =	vadd.s32 v1, v7;
	s26 =	sand.u32 $0x380, s22;
	s28 =	sor.u32 s25, s22;
	p0 =	slt.u32 s23, $0x1F8;
	v7 =	vcvt.f32.s32 v11;
	v5 =	vtrunc.f32 v10;
	[tilespmem:v4+s14+$0x0] =	vst.idx.add.f32.msk $0xffff, v2  }
0x4b: {  	v10 =	vadd.s32 v1, v6;
	v14 =	vadd.s32 v1, v9;
	s25 =	sor.u32 s26, s25;
	s26 =	sor.u32 $0x70, s28;
	v6 =	vcvt.f32.s32 v5;
	[tilespmem:v3+s14+$0x0] =	vst.idx.add.f32.msk $0xffff, v2  }
0x4c: {  	v5 =	vadd.s32 v1, v12;
	v9 =	vld [tilespmem:s26+$0x0];
	v4 =	vadd.s32 v1, v7  }
0x4d: {  	v7 =	vld [tilespmem:s25+$0x0];
	v3 =	vadd.s32 v1, v6  }
0x4e: {  	v6 =	vld [tilespmem:s26+$0x2000]  }
0x4f: {  	v11 =	vld [tilespmem:s25+$0x10]  }
0x50: {  	v12 =	vld [tilespmem:s25+$0x20]  }
0x51: {  	v15 =	vld [tilespmem:s25+$0x30];
	v9 =	vmul.f32 $1.600000000e+01, v9  }
0x52: {  	v7 =	vmul.f32 $1.600000000e+01, v7;
	v16 =	vld [tilespmem:s25+$0x40]  }
0x53: {  	v17 =	vld [tilespmem:s25+$0x50];
	v6 =	vadd.f32 v6, v9  }
0x54: {  	v9 =	vmul.f32 $1.600000000e+01, v11;
	v11 =	vld [tilespmem:s25+$0x60]  }
0x55: {  	v18 =	vld [tilespmem:s25+$0x2000];
	v12 =	vmul.f32 $1.600000000e+01, v12;
	v6 =	vtrunc.f32 v6  }
0x56: {  	v19 =	vld [tilespmem:s25+$0x2010];
	v15 =	vmul.f32 $1.600000000e+01, v15;
	v6 =	vcvt.f32.s32 v6  }
0x57: {  	v20 =	vld [tilespmem:s25+$0x2020];
	v16 =	vmul.f32 $1.600000000e+01, v16  }
0x58: {  	v21 =	vld [tilespmem:s25+$0x2030];
	v17 =	vmul.f32 $1.600000000e+01, v17;
	v6 =	vadd.s32 v1, v6  }
0x59: {  	v22 =	vld [tilespmem:s25+$0x2040];
	v23 =	vmul.f32 $1.600000000e+01, v11  }
0x5a: {  	v7 =	vadd.f32 v18, v7;
	v11 =	vld [tilespmem:s25+$0x2050]  }
0x5b: {  	v9 =	vadd.f32 v19, v9;
	v18 =	vld [tilespmem:s25+$0x2060]  }
.Ltmp1:
0x5c: {  	v7 =	vtrunc.f32 v7;
	v12 =	vadd.f32 v20, v12;
	[tilespmem:v8+s14+$0x0] =	vst.idx.add.f32.msk $0xffff, v2;
	(pc) =	sbr.rel @p0 .LBB2_4-.Ltmp1, $4  }
0x5d: {  	v8 =	vcvt.f32.s32 v7;
	v7 =	vtrunc.f32 v9;
	v9 =	vadd.f32 v21, v15;
	[tilespmem:v6+s14+$0x0] =	vst.idx.add.f32.msk $0xffff, v2  }
0x5e: {  	v7 =	vcvt.f32.s32 v7;
	v6 =	vtrunc.f32 v12;
	v12 =	vadd.f32 v22, v16;
	[tilespmem:v13+s14+$0x0] =	vst.idx.add.f32.msk $0xffff, v2  }
0x5f: {  	v6 =	vcvt.f32.s32 v6;
	v9 =	vtrunc.f32 v9;
	v11 =	vadd.f32 v11, v17;
	[tilespmem:v10+s14+$0x0] =	vst.idx.add.f32.msk $0xffff, v2  }
0x60: {  	s24 =	sadd.s32 $0x400, s24;
	v9 =	vcvt.f32.s32 v9;
	v12 =	vtrunc.f32 v12;
	v10 =	vadd.f32 v18, v23;
	[tilespmem:v14+s14+$0x0] =	vst.idx.add.f32.msk $0xffff, v2  }
0x61: {  	_ =	sdelay $0x1  }
0x62: {  	v8 =	vadd.s32 v1, v8  }
0x63: {  	v7 =	vadd.s32 v1, v7  }
0x64: {  	v12 =	vcvt.f32.s32 v12;
	v11 =	vtrunc.f32 v11;
	[tilespmem:v5+s14+$0x0] =	vst.idx.add.f32.msk $0xffff, v2;
	v5 =	vadd.s32 v1, v6  }
0x65: {  	[tilespmem:v4+s14+$0x0] =	vst.idx.add.f32.msk $0xffff, v2;
	v6 =	vcvt.f32.s32 v11;
	v10 =	vtrunc.f32 v10;
	v4 =	vadd.s32 v1, v9  }
0x66: {  	[tilespmem:v3+s14+$0x0] =	vst.idx.add.f32.msk $0xffff, v2;
	v9 =	vcvt.f32.s32 v10;
	v3 =	vadd.s32 v1, v12  }
0x67: {  	v6 =	vadd.s32 v1, v6;
	[tilespmem:v8+s14+$0x0] =	vst.idx.add.f32.msk $0xffff, v2  }
0x68: {  	v8 =	vadd.s32 v1, v9;
	[tilespmem:v7+s14+$0x0] =	vst.idx.add.f32.msk $0xffff, v2  }
0x69: {  	[tilespmem:v5+s14+$0x0] =	vst.idx.add.f32.msk $0xffff, v2  }
0x6a: {  	[tilespmem:v4+s14+$0x0] =	vst.idx.add.f32.msk $0xffff, v2  }
0x6b: {  	[tilespmem:v3+s14+$0x0] =	vst.idx.add.f32.msk $0xffff, v2  }
0x6c: {  	[tilespmem:v6+s14+$0x0] =	vst.idx.add.f32.msk $0xffff, v2  }
0x6d: {  	[tilespmem:v8+s14+$0x0] =	vst.idx.add.f32.msk $0xffff, v2  }
0x6e: {  	_ =	swait.ge [sflag:s15], $0x2000  }
0x6f: {  	[sflag:s15] =	ssyncset.done $0x0  }
0x70: {  	s22 =	simm.s32 $0x0;
	[sflag:s15] =	ssyncadd.s32 $0xFFFFE000  }
0x71: {  	s23 =	sand.u32 $0x1C00, s22;
	_ =	swait.ge [sflag:s16], $0x2000  }
0x72: {  	s24 =	sor.u32 s23, s22;
	[sflag:s16] =	ssyncset.done $0x0  }
0x73: {  	s24 =	sor.u32 $0x70, s24;
	[sflag:s16] =	ssyncadd.s32 $0xFFFFE000  }
0x74: {  	s22 =	sand.u32 $0x380, s22;
	v3 =	vld [tilespmem:s24+$0x4000]  }
0x75: {  	s23 =	sor.u32 s22, s23;
	v4 =	vld [tilespmem:s24+$0x6000]  }
0x76: {  	v5 =	vld [tilespmem:s23+$0x4000]  }
0x77: {  	v6 =	vld [tilespmem:s23+$0x4010]  }
0x78: {  	v7 =	vld [tilespmem:s23+$0x4020]  }
0x79: {  	v8 =	vld [tilespmem:s23+$0x4030]  }
0x7a: {  	v9 =	vld [tilespmem:s23+$0x4040];
	v3 =	vmul.f32 $1.600000000e+01, v3  }
0x7b: {  	v10 =	vld [tilespmem:s23+$0x4060]  }
0x7c: {  	v11 =	vld [tilespmem:s23+$0x6000];
	v3 =	vadd.f32 v4, v3  }
0x7d: {  	v12 =	vld [tilespmem:s23+$0x6010]  }
0x7e: {  	s29 =	simm.s32 $0x400;
	s22 =	simm.s32 $0x10;
	v13 =	vld [tilespmem:s23+$0x6020];
	v3 =	vtrunc.f32 v3  }
0x7f: {  	s30 =	sand.u32 $0x1C00, s29;
	s25 =	sand.u32 $0x380, s22;
	v14 =	vld [tilespmem:s23+$0x6030];
	v3 =	vcvt.f32.s32 v3  }
0x80: {  	v15 =	vld [tilespmem:s23+$0x6040];
	s24 =	sor.u32 s25, s30  }
0x81: {  	v18 =	vld [tilespmem:s24+$0x4050];
	v3 =	vadd.s32 v1, v3  }
0x82: {  	v16 =	vld [tilespmem:s23+$0x6050]  }
0x83: {  	v17 =	vld [tilespmem:s23+$0x6060];
	v9 =	vmul.f32 $1.600000000e+01, v9  }
0x84: {  	v5 =	vmul.f32 $1.600000000e+01, v5;
	v6 =	vmul.f32 $1.600000000e+01, v6;
	v4 =	vld [tilespmem:s23+$0x4050]  }
0x85: {  	s31 =	sor.u32 s30, s22;
	v10 =	vmul.f32 $1.600000000e+01, v10;
	v9 =	vadd.f32 v15, v9;
	v15 =	vld [tilespmem:s24+$0x4030]  }
0x86: {  	v18 =	vmul.f32 $1.600000000e+01, v18;
	s23 =	sor.u32 $0x70, s31;
	v5 =	vadd.f32 v11, v5;
	v6 =	vadd.f32 v12, v6;
	[tilespmem:v3+s14+$0x0] =	vst.idx.add.f32.msk $0xffff, v2  }
0x87: {  	v3 =	vmul.f32 $1.600000000e+01, v7;
	v7 =	vmul.f32 $1.600000000e+01, v8;
	v8 =	vld [tilespmem:s23+$0x4000]  }
0x88: {  	v60 =	vld [tilespmem:s24+$0x4040];
	v5 =	vtrunc.f32 v5;
	v6 =	vtrunc.f32 v6  }
0x89: {  	v12 =	vld [tilespmem:s23+$0x6000];
	v9 =	vtrunc.f32 v9;
	v4 =	vmul.f32 $1.600000000e+01, v4  }
0x8a: {  	v5 =	vcvt.f32.s32 v5;
	v6 =	vcvt.f32.s32 v6  }
0x8b: {  	v19 =	vld [tilespmem:s24+$0x6000];
	v9 =	vcvt.f32.s32 v9;
	v15 =	vmul.f32 $1.600000000e+01, v15;
	v4 =	vadd.f32 v16, v4  }
0x8c: {  	v11 =	vld [tilespmem:s24+$0x4000];
	v3 =	vadd.f32 v13, v3;
	v7 =	vadd.f32 v14, v7;
	v8 =	vmul.f32 $1.600000000e+01, v8  }
0x8d: {  	v10 =	vadd.f32 v17, v10;
	v16 =	vmul.f32 $1.600000000e+01, v60;
	v4 =	vtrunc.f32 v4;
	v13 =	vld [tilespmem:s24+$0x4010]  }
0x8e: {  	v14 =	vld [tilespmem:s24+$0x4020];
	v3 =	vtrunc.f32 v3;
	v7 =	vtrunc.f32 v7;
	v8 =	vadd.f32 v12, v8  }
0x8f: {  	v61 =	vadd.s32 v1, v5;
	v3 =	vcvt.f32.s32 v3;
	v7 =	vcvt.f32.s32 v7;
	v12 =	vld [tilespmem:s24+$0x4060]  }
0x90: {  	v6 =	vadd.s32 v1, v6;
	v5 =	vtrunc.f32 v8;
	v8 =	vtrunc.f32 v10;
	v10 =	vld [tilespmem:s24+$0x6010]  }
0x91: {  	v21 =	vadd.s32 v1, v3;
	v22 =	vadd.s32 v1, v7;
	v7 =	vld [tilespmem:s24+$0x6020];
	v20 =	vcvt.f32.s32 v5  }
0x92: {  	v3 =	vcvt.f32.s32 v8;
	v5 =	vadd.s32 v1, v9;
	v8 =	vmul.f32 $1.600000000e+01, v11;
	v9 =	vld [tilespmem:s24+$0x6030]  }
0x93: {  	v62 =	vld [tilespmem:s24+$0x6040];
	v4 =	vcvt.f32.s32 v4;
	v13 =	vmul.f32 $1.600000000e+01, v13  }
0x94: {  	v63 =	vld [tilespmem:s24+$0x6050];
	v14 =	vmul.f32 $1.600000000e+01, v14;
	v11 =	vadd.s32 v1, v20;
	v8 =	vadd.f32 v19, v8  }
0x95: {  	v4 =	vadd.s32 v1, v4;
	v3 =	vadd.s32 v1, v3;
	v10 =	vadd.f32 v10, v13;
	v13 =	vld [tilespmem:s24+$0x6060]  }
0x96: {  	[tilespmem:v61+s14+$0x0] =	vst.idx.add.f32.msk $0xffff, v2;
	v23 =	vmul.f32 $1.600000000e+01, v12;
	v12 =	vadd.f32 v7, v14;
	v8 =	vtrunc.f32 v8  }
0x97: {  	[tilespmem:v6+s14+$0x0] =	vst.idx.add.f32.msk $0xffff, v2;
	v8 =	vcvt.f32.s32 v8;
	v9 =	vadd.f32 v9, v15;
	v7 =	vtrunc.f32 v10  }
0x98: {  	[tilespmem:v21+s14+$0x0] =	vst.idx.add.f32.msk $0xffff, v2;
	v10 =	vtrunc.f32 v12;
	v12 =	vadd.f32 v62, v16;
	v7 =	vcvt.f32.s32 v7  }
0x99: {  	[tilespmem:v11+s14+$0x0] =	vst.idx.add.f32.msk $0xffff, v2;
	v6 =	vcvt.f32.s32 v10;
	v9 =	vtrunc.f32 v9;
	v11 =	vadd.f32 v63, v18  }
0x9a: {  	s23 =	simm.s32 $0x8;
	[tilespmem:v22+s14+$0x0] =	vst.idx.add.f32.msk $0xffff, v2;
	s24 =	simm.s32 $0x800;
	v9 =	vcvt.f32.s32 v9;
	v12 =	vtrunc.f32 v12;
	v10 =	vadd.f32 v13, v23  }
.LBB2_6:
0x9b: {  	s25 =	sand.u32 $0x1C00, s24;
	s23 =	sadd.s32 $0x8, s23;
	v8 =	vadd.s32 v1, v8;
	v12 =	vcvt.f32.s32 v12;
	v11 =	vtrunc.f32 v11;
	s22 =	sadd.s32 $0x10, s22;
	[tilespmem:v5+s14+$0x0] =	vst.idx.add.f32.msk $0xffff, v2  }
0x9c: {  	v13 =	vadd.s32 v1, v7;
	s26 =	sand.u32 $0x380, s22;
	s28 =	sor.u32 s25, s22;
	p0 =	slt.u32 s23, $0x1F8;
	v7 =	vcvt.f32.s32 v11;
	v5 =	vtrunc.f32 v10;
	[tilespmem:v4+s14+$0x0] =	vst.idx.add.f32.msk $0xffff, v2  }
0x9d: {  	v10 =	vadd.s32 v1, v6;
	v14 =	vadd.s32 v1, v9;
	s25 =	sor.u32 s26, s25;
	s26 =	sor.u32 $0x70, s28;
	v6 =	vcvt.f32.s32 v5;
	[tilespmem:v3+s14+$0x0] =	vst.idx.add.f32.msk $0xffff, v2  }
0x9e: {  	v5 =	vadd.s32 v1, v12;
	v9 =	vld [tilespmem:s26+$0x4000];
	v4 =	vadd.s32 v1, v7  }
0x9f: {  	v7 =	vld [tilespmem:s25+$0x4000];
	v3 =	vadd.s32 v1, v6  }
0xa0: {  	v6 =	vld [tilespmem:s26+$0x6000]  }
0xa1: {  	v11 =	vld [tilespmem:s25+$0x4010]  }
0xa2: {  	v12 =	vld [tilespmem:s25+$0x4020]  }
0xa3: {  	v15 =	vld [tilespmem:s25+$0x4030];
	v9 =	vmul.f32 $1.600000000e+01, v9  }
0xa4: {  	v7 =	vmul.f32 $1.600000000e+01, v7;
	v16 =	vld [tilespmem:s25+$0x4040]  }
0xa5: {  	v17 =	vld [tilespmem:s25+$0x4050];
	v6 =	vadd.f32 v6, v9  }
0xa6: {  	v9 =	vmul.f32 $1.600000000e+01, v11;
	v11 =	vld [tilespmem:s25+$0x4060]  }
0xa7: {  	v18 =	vld [tilespmem:s25+$0x6000];
	v12 =	vmul.f32 $1.600000000e+01, v12;
	v6 =	vtrunc.f32 v6  }
0xa8: {  	v19 =	vld [tilespmem:s25+$0x6010];
	v15 =	vmul.f32 $1.600000000e+01, v15;
	v6 =	vcvt.f32.s32 v6  }
0xa9: {  	v20 =	vld [tilespmem:s25+$0x6020];
	v16 =	vmul.f32 $1.600000000e+01, v16  }
0xaa: {  	v21 =	vld [tilespmem:s25+$0x6030];
	v17 =	vmul.f32 $1.600000000e+01, v17;
	v6 =	vadd.s32 v1, v6  }
0xab: {  	v22 =	vld [tilespmem:s25+$0x6040];
	v23 =	vmul.f32 $1.600000000e+01, v11  }
0xac: {  	v7 =	vadd.f32 v18, v7;
	v11 =	vld [tilespmem:s25+$0x6050]  }
0xad: {  	v9 =	vadd.f32 v19, v9;
	v18 =	vld [tilespmem:s25+$0x6060]  }
.Ltmp2:
0xae: {  	v7 =	vtrunc.f32 v7;
	v12 =	vadd.f32 v20, v12;
	[tilespmem:v8+s14+$0x0] =	vst.idx.add.f32.msk $0xffff, v2;
	(pc) =	sbr.rel @p0 .LBB2_6-.Ltmp2, $4  }
0xaf: {  	v8 =	vcvt.f32.s32 v7;
	v7 =	vtrunc.f32 v9;
	v9 =	vadd.f32 v21, v15;
	[tilespmem:v6+s14+$0x0] =	vst.idx.add.f32.msk $0xffff, v2  }
0xb0: {  	v7 =	vcvt.f32.s32 v7;
	v6 =	vtrunc.f32 v12;
	v12 =	vadd.f32 v22, v16;
	[tilespmem:v13+s14+$0x0] =	vst.idx.add.f32.msk $0xffff, v2  }
0xb1: {  	v6 =	vcvt.f32.s32 v6;
	v9 =	vtrunc.f32 v9;
	v11 =	vadd.f32 v11, v17;
	[tilespmem:v10+s14+$0x0] =	vst.idx.add.f32.msk $0xffff, v2  }
0xb2: {  	s24 =	sadd.s32 $0x400, s24;
	v9 =	vcvt.f32.s32 v9;
	v12 =	vtrunc.f32 v12;
	v10 =	vadd.f32 v18, v23;
	[tilespmem:v14+s14+$0x0] =	vst.idx.add.f32.msk $0xffff, v2  }
0xb3: {  	_ =	sdelay $0x1  }
0xb4: {  	v8 =	vadd.s32 v1, v8  }
0xb5: {  	v7 =	vadd.s32 v1, v7  }
0xb6: {  	v12 =	vcvt.f32.s32 v12;
	v11 =	vtrunc.f32 v11;
	[tilespmem:v5+s14+$0x0] =	vst.idx.add.f32.msk $0xffff, v2;
	v38 =	vadd.s32 v1, v6  }
0xb7: {  	[tilespmem:v4+s14+$0x0] =	vst.idx.add.f32.msk $0xffff, v2;
	v39 =	vcvt.f32.s32 v11;
	v10 =	vtrunc.f32 v10;
	v40 =	vadd.s32 v1, v9  }
0xb8: {  	[tilespmem:v3+s14+$0x0] =	vst.idx.add.f32.msk $0xffff, v2;
	v41 =	vcvt.f32.s32 v10;
	v3 =	vadd.s32 v1, v12  }
0xb9: {  	v6 =	vadd.s32 v1, v39;
	[tilespmem:v8+s14+$0x0] =	vst.idx.add.f32.msk $0xffff, v2  }
0xba: {  	v42 =	vadd.s32 v1, v41;
	[tilespmem:v7+s14+$0x0] =	vst.idx.add.f32.msk $0xffff, v2  }
0xbb: {  	[tilespmem:v38+s14+$0x0] =	vst.idx.add.f32.msk $0xffff, v2  }
0xbc: {  	[tilespmem:v40+s14+$0x0] =	vst.idx.add.f32.msk $0xffff, v2  }
0xbd: {  	[tilespmem:v3+s14+$0x0] =	vst.idx.add.f32.msk $0xffff, v2  }
0xbe: {  	[tilespmem:v6+s14+$0x0] =	vst.idx.add.f32.msk $0xffff, v2  }
0xbf: {  	[tilespmem:v42+s14+$0x0] =	vst.idx.add.f32.msk $0xffff, v2  }
0xc0: {  	v3 =	vld [tilespmem:$0x8700];
	_ =	sdelay $0x4  }
0xc1: {  	[tilespmem:$0x1FA90] =	vst v3;
	v3 =	vld [tilespmem:$0x8800];
	_ =	sdelay $0x4  }
0xc2: {  	[tilespmem:$0x1FAA0] =	vst v3;
	v3 =	vld [tilespmem:$0x8900];
	_ =	sdelay $0x4  }
0xc3: {  	[tilespmem:$0x1FAB0] =	vst v3;
	v3 =	vld [tilespmem:$0x8A00];
	_ =	sdelay $0x4  }
0xc4: {  	[tilespmem:$0x1FAC0] =	vst v3;
	v3 =	vld [tilespmem:$0x8B00];
	_ =	sdelay $0x4  }
0xc5: {  	[tilespmem:$0x1FAE0] =	vst v3;
	v3 =	vld [tilespmem:$0x8C00];
	_ =	sdelay $0x4  }
0xc6: {  	[tilespmem:$0x1FB00] =	vst v3;
	v3 =	vld [tilespmem:$0x8D00];
	_ =	sdelay $0x4  }
0xc7: {  	[tilespmem:$0x1FB20] =	vst v3;
	v3 =	vld [tilespmem:$0x8E00];
	_ =	sdelay $0x4  }
0xc8: {  	[tilespmem:$0x1FB50] =	vst v3;
	v3 =	vld [tilespmem:$0x8F00];
	_ =	sdelay $0x4  }
0xc9: {  	[tilespmem:$0x1FB80] =	vst v3;
	v3 =	vld [tilespmem:$0x8A10];
	_ =	sdelay $0x4  }
0xca: {  	[tilespmem:$0x1FAD0] =	vst v3;
	v3 =	vld [tilespmem:$0x8B10];
	_ =	sdelay $0x4  }
0xcb: {  	[tilespmem:$0x1FAF0] =	vst v3;
	v3 =	vld [tilespmem:$0x8C10];
	_ =	sdelay $0x4  }
0xcc: {  	[tilespmem:$0x1FB10] =	vst v3;
	v3 =	vld [tilespmem:$0x8D10];
	_ =	sdelay $0x4  }
0xcd: {  	[tilespmem:$0x1FB40] =	vst v3;
	v3 =	vld [tilespmem:$0x8E10];
	_ =	sdelay $0x4  }
0xce: {  	[tilespmem:$0x1FB70] =	vst v3;
	v3 =	vld [tilespmem:$0x8F10];
	_ =	sdelay $0x4  }
0xcf: {  	[tilespmem:$0x1FBA0] =	vst v3;
	v3 =	vld [tilespmem:$0x8C20];
	_ =	sdelay $0x3  }
0xd0: {  	v24 =	vld [tilespmem:$0x8000]  }
0xd1: {  	[tilespmem:$0x1FB30] =	vst v3;
	v3 =	vld [tilespmem:$0x8D20]  }
0xd2: {  	v27 =	vld [tilespmem:$0x8100]  }
0xd3: {  	v31 =	vld [tilespmem:$0x8200]  }
0xd4: {  	v39 =	vld [tilespmem:$0x8300]  }
0xd5: {  	v45 =	vld [tilespmem:$0x8400]  }
0xd6: {  	[tilespmem:$0x1FB60] =	vst v3;
	v3 =	vld [tilespmem:$0x8E20]  }
0xd7: {  	v53 =	vld [tilespmem:$0x8500]  }
0xd8: {  	v12 =	vld [tilespmem:$0x8010]  }
0xd9: {  	v14 =	vld [tilespmem:$0x8110]  }
0xda: {  	v19 =	vld [tilespmem:$0x8210]  }
0xdb: {  	[tilespmem:$0x1FB90] =	vst v3;
	v3 =	vld [tilespmem:$0x8F20]  }
0xdc: {  	v22 =	vld [tilespmem:$0x8310]  }
0xdd: {  	v30 =	vld [tilespmem:$0x8410]  }
0xde: {  	v36 =	vld [tilespmem:$0x8510]  }
0xdf: {  	v6 =	vld [tilespmem:$0x8020]  }
0xe0: {  	[tilespmem:$0x1FBB0] =	vst v3;
	v3 =	vld [tilespmem:$0x8030]  }
0xe1: {  	v8 =	vld [tilespmem:$0x8120]  }
0xe2: {  	v4 =	vld [tilespmem:$0x8130];
	v24 =	vadd.f32 $0.0e+00, v24  }
0xe3: {  	v10 =	vld [tilespmem:$0x8220];
	v12 =	vadd.f32 $0.0e+00, v12  }
0xe4: {  	v5 =	vld [tilespmem:$0x8230];
	v24 =	vadd.f32 v27, v24  }
0xe5: {  	v7 =	vld [tilespmem:$0x8330];
	v12 =	vadd.f32 v14, v12;
	v3 =	vadd.f32 $0.0e+00, v3  }
0xe6: {  	v6 =	vadd.f32 $0.0e+00, v6;
	v27 =	vld [tilespmem:$0x8780];
	v24 =	vadd.f32 v31, v24  }
0xe7: {  	v13 =	vld [tilespmem:$0x8320];
	v31 =	vadd.f32 v19, v12;
	v3 =	vadd.f32 v4, v3  }
0xe8: {  	v9 =	vld [tilespmem:$0x8430];
	v6 =	vadd.f32 v8, v6  }
0xe9: {  	v42 =	vld [tilespmem:$0x8610];
	v8 =	vadd.f32 v22, v31;
	v3 =	vadd.f32 v5, v3  }
0xea: {  	v11 =	vld [tilespmem:$0x8530];
	v6 =	vadd.f32 v10, v6  }
0xeb: {  	v49 =	vld [tilespmem:$0x8710];
	[tilespmem:$0x1FF40] =	vst v27;
	v27 =	vadd.f32 v30, v8;
	v3 =	vadd.f32 v7, v3  }
0xec: {  	v15 =	vld [tilespmem:$0x8630];
	v12 =	vadd.f32 v39, v24;
	v22 =	vadd.f32 v13, v6  }
0xed: {  	v59 =	vld [tilespmem:$0x8600];
	v6 =	vadd.f32 v36, v27;
	v3 =	vadd.f32 v9, v3  }
0xee: {  	v18 =	vld [tilespmem:$0x8730];
	v4 =	vadd.f32 v45, v12  }
0xef: {  	v6 =	vadd.f32 v42, v6;
	v45 =	vld [tilespmem:$0x1FA90];
	v3 =	vadd.f32 v11, v3  }
0xf0: {  	v4 =	vadd.f32 v53, v4  }
0xf1: {  	v6 =	vadd.f32 v49, v6;
	v49 =	vld [tilespmem:$0x1FAA0];
	v3 =	vadd.f32 v15, v3  }
0xf2: {  	v4 =	vadd.f32 v59, v4  }
0xf3: {  	v53 =	vadd.f32 v18, v3;
	v3 =	vld [tilespmem:$0x1FAB0]  }
0xf4: {  	v4 =	vadd.f32 v45, v4;
	_ =	sdelay $0x1  }
0xf5: {  	v4 =	vadd.f32 v49, v4;
	_ =	sdelay $0x1  }
0xf6: {  	v4 =	vadd.f32 v3, v4;
	v3 =	vld [tilespmem:$0x1FAC0]  }
0xf7: {  	v55 =	vld [tilespmem:$0x8810];
	_ =	sdelay $0x1  }
0xf8: {  	v63 =	vld [tilespmem:$0x8910];
	_ =	sdelay $0x1  }
0xf9: {  	v4 =	vadd.f32 v3, v4;
	v3 =	vld [tilespmem:$0x1FAD0]  }
0xfa: {  	v6 =	vadd.f32 v55, v6;
	_ =	sdelay $0x1  }
0xfb: {  	v6 =	vadd.f32 v63, v6;
	_ =	sdelay $0x1  }
0xfc: {  	v6 =	vadd.f32 v3, v6;
	v3 =	vld [tilespmem:$0x1FAE0];
	_ =	sdelay $0x4  }
0xfd: {  	v4 =	vadd.f32 v3, v4;
	v3 =	vld [tilespmem:$0x1FAF0];
	_ =	sdelay $0x3  }
0xfe: {  	v17 =	vld [tilespmem:$0x8420]  }
0xff: {  	v6 =	vadd.f32 v3, v6;
	v3 =	vld [tilespmem:$0x1FB00]  }
0x100: {  	v21 =	vld [tilespmem:$0x8520];
	_ =	sdelay $0x1  }
0x101: {  	v26 =	vld [tilespmem:$0x8620]  }
0x102: {  	v33 =	vld [tilespmem:$0x8720];
	v5 =	vadd.f32 v17, v22  }
0x103: {  	v4 =	vadd.f32 v3, v4;
	v3 =	vld [tilespmem:$0x1FB10]  }
0x104: {  	v5 =	vadd.f32 v21, v5  }
0x105: {  	v38 =	vld [tilespmem:$0x8820]  }
0x106: {  	v5 =	vadd.f32 v26, v5  }
0x107: {  	v44 =	vld [tilespmem:$0x8920]  }
0x108: {  	v5 =	vadd.f32 v33, v5;
	v6 =	vadd.f32 v3, v6;
	v3 =	vld [tilespmem:$0x1FB20]  }
0x109: {  	v52 =	vld [tilespmem:$0x8A20]  }
0x10a: {  	v5 =	vadd.f32 v38, v5  }
0x10b: {  	v60 =	vld [tilespmem:$0x8B20]  }
0x10c: {  	v5 =	vadd.f32 v44, v5  }
0x10d: {  	v4 =	vadd.f32 v3, v4;
	v3 =	vld [tilespmem:$0x1FB30]  }
0x10e: {  	v5 =	vadd.f32 v52, v5;
	_ =	sdelay $0x1  }
0x10f: {  	v5 =	vadd.f32 v60, v5  }
0x110: {  	v61 =	vld [tilespmem:$0x8840]  }
0x111: {  	v5 =	vadd.f32 v3, v5;
	v3 =	vld [tilespmem:$0x1FB40];
	_ =	sdelay $0x3  }
0x112: {  	[tilespmem:$0x1FCC0] =	vst v61;
	v61 =	vld [tilespmem:$0x8850]  }
0x113: {  	v6 =	vadd.f32 v3, v6;
	v3 =	vld [tilespmem:$0x1FB50];
	_ =	sdelay $0x3  }
0x114: {  	[tilespmem:$0x1FCE0] =	vst v61;
	v61 =	vld [tilespmem:$0x8860]  }
0x115: {  	v4 =	vadd.f32 v3, v4;
	v3 =	vld [tilespmem:$0x1FB60];
	_ =	sdelay $0x2  }
0x116: {  	v23 =	vld [tilespmem:$0x8830]  }
0x117: {  	[tilespmem:$0x1FD00] =	vst v61;
	v61 =	vld [tilespmem:$0x8870]  }
0x118: {  	v5 =	vadd.f32 v3, v5;
	v3 =	vld [tilespmem:$0x1FB70]  }
0x119: {  	v28 =	vld [tilespmem:$0x8930]  }
0x11a: {  	v34 =	vld [tilespmem:$0x8A30]  }
0x11b: {  	v30 =	vld [tilespmem:$0x8C80]  }
0x11c: {  	[tilespmem:$0x1FD20] =	vst v61;
	v61 =	vld [tilespmem:$0x8970]  }
0x11d: {  	v9 =	vadd.f32 v23, v53;
	v6 =	vadd.f32 v3, v6;
	v3 =	vld [tilespmem:$0x1FB80]  }
0x11e: {  	v40 =	vld [tilespmem:$0x8B30]  }
0x11f: {  	v48 =	vld [tilespmem:$0x8C30];
	v9 =	vadd.f32 v28, v9  }
0x120: {  	v54 =	vld [tilespmem:$0x8D30]  }
0x121: {  	[tilespmem:$0x1FD60] =	vst v61;
	v61 =	vld [tilespmem:$0x8A70];
	v9 =	vadd.f32 v34, v9  }
0x122: {  	[tilespmem:$0x1FF90] =	vst v30;
	v30 =	vadd.f32 v3, v4;
	v3 =	vld [tilespmem:$0x1FB90]  }
0x123: {  	v9 =	vadd.f32 v40, v9;
	_ =	sdelay $0x1  }
0x124: {  	v9 =	vadd.f32 v48, v9  }
0x125: {  	[tilespmem:$0x1FDA0] =	vst v61;
	v61 =	vld [tilespmem:$0x8B70]  }
0x126: {  	v9 =	vadd.f32 v54, v9;
	v54 =	vadd.f32 v3, v5;
	v3 =	vld [tilespmem:$0x1FBA0];
	_ =	sdelay $0x4  }
0x127: {  	[tilespmem:$0x1FDE0] =	vst v61;
	v61 =	vld [tilespmem:$0x8C70];
	v3 =	vadd.f32 v3, v6;
	_ =	sdelay $0x1  }
0x128: {  	[tilespmem:$0x1FFD0] =	vst v3;
	v3 =	vld [tilespmem:$0x1FBB0]  }
0x129: {  	v43 =	vld [tilespmem:$0x8040];
	_ =	sdelay $0x1  }
0x12a: {  	[tilespmem:$0x1FE20] =	vst v61;
	v61 =	vld [tilespmem:$0x8D70];
	_ =	sdelay $0x1  }
0x12b: {  	v62 =	vld [tilespmem:$0x8E30];
	v3 =	vadd.f32 v3, v54  }
0x12c: {  	v16 =	vld [tilespmem:$0x8F30];
	[tilespmem:$0x1FBC0] =	vst v43  }
0x12d: {  	[tilespmem:$0x1FFE0] =	vst v3;
	v3 =	vld [tilespmem:$0x1FBC0]  }
0x12e: {  	[tilespmem:$0x1FE60] =	vst v61;
	v61 =	vld [tilespmem:$0x8E70]  }
0x12f: {  	v46 =	vld [tilespmem:$0x8140]  }
0x130: {  	v47 =	vld [tilespmem:$0x8240]  }
0x131: {  	v50 =	vld [tilespmem:$0x8340];
	[tilespmem:$0x1FBD0] =	vst v16  }
0x132: {  	v59 =	vadd.f32 $0.0e+00, v3;
	v3 =	vld [tilespmem:$0x1FBD0]  }
0x133: {  	[tilespmem:$0x1FEA0] =	vst v61;
	v61 =	vld [tilespmem:$0x8F70]  }
0x134: {  	v51 =	vld [tilespmem:$0x8440]  }
0x135: {  	v56 =	vld [tilespmem:$0x8540];
	v55 =	vadd.f32 v62, v9  }
0x136: {  	v57 =	vld [tilespmem:$0x8640]  }
0x137: {  	v20 =	vld [tilespmem:$0x8940];
	[tilespmem:$0x1FBE0] =	vst v46;
	v3 =	vadd.f32 v3, v55  }
0x138: {  	[tilespmem:$0x1FED0] =	vst v61;
	v61 =	vld [tilespmem:$0x8080]  }
0x139: {  	[tilespmem:$0x1FFF0] =	vst v3;
	v3 =	vld [tilespmem:$0x1FBE0]  }
0x13a: {  	v25 =	vld [tilespmem:$0x8A40]  }
0x13b: {  	v29 =	vld [tilespmem:$0x8B40]  }
0x13c: {  	v35 =	vld [tilespmem:$0x8D40];
	[tilespmem:$0x1FBF0] =	vst v47  }
0x13d: {  	[tilespmem:$0x1FEC0] =	vst v61;
	v61 =	vld [tilespmem:$0x8180]  }
0x13e: {  	v4 =	vadd.f32 v3, v59;
	v3 =	vld [tilespmem:$0x1FBF0]  }
0x13f: {  	v41 =	vld [tilespmem:$0x8F40]  }
0x140: {  	v46 =	vld [tilespmem:$0x8050]  }
0x141: {  	[tilespmem:$0x1FC00] =	vst v50;
	v43 =	vld [tilespmem:$0x8350]  }
0x142: {  	[tilespmem:$0x1FEE0] =	vst v61;
	v61 =	vld [tilespmem:$0x8280]  }
0x143: {  	v4 =	vadd.f32 v3, v4;
	v3 =	vld [tilespmem:$0x1FC00]  }
0x144: {  	v50 =	vld [tilespmem:$0x8150]  }
0x145: {  	[tilespmem:$0x1FC60] =	vst v57;
	v57 =	vld [tilespmem:$0x8250]  }
0x146: {  	v47 =	vld [tilespmem:$0x8450];
	[tilespmem:$0x1FC10] =	vst v43  }
0x147: {  	[tilespmem:$0x1FEF0] =	vst v61;
	v61 =	vld [tilespmem:$0x8380];
	v60 =	vadd.f32 $0.0e+00, v46  }
0x148: {  	v4 =	vadd.f32 v3, v4;
	v3 =	vld [tilespmem:$0x1FC10]  }
0x149: {  	[tilespmem:$0x1FC20] =	vst v51;
	v51 =	vld [tilespmem:$0x8550];
	v5 =	vadd.f32 v50, v60  }
0x14a: {  	[tilespmem:$0x1FC40] =	vst v56;
	v56 =	vld [tilespmem:$0x8650]  }
0x14b: {  	[tilespmem:$0x1FCF0] =	vst v20;
	v20 =	vld [tilespmem:$0x8950];
	v5 =	vadd.f32 v57, v5  }
0x14c: {  	[tilespmem:$0x1FF00] =	vst v61;
	v61 =	vld [tilespmem:$0x8480]  }
0x14d: {  	[tilespmem:$0x1FD30] =	vst v25;
	v5 =	vadd.f32 v3, v5;
	v3 =	vld [tilespmem:$0x1FC20]  }
0x14e: {  	[tilespmem:$0x1FD70] =	vst v29;
	v25 =	vld [tilespmem:$0x8A50]  }
0x14f: {  	[tilespmem:$0x1FDF0] =	vst v35;
	v29 =	vld [tilespmem:$0x8B50]  }
0x150: {  	v35 =	vld [tilespmem:$0x8D50];
	[tilespmem:$0x1FC30] =	vst v47  }
0x151: {  	[tilespmem:$0x1FF10] =	vst v61;
	v61 =	vld [tilespmem:$0x8580]  }
0x152: {  	v4 =	vadd.f32 v3, v4;
	v3 =	vld [tilespmem:$0x1FC30]  }
0x153: {  	[tilespmem:$0x1FE70] =	vst v41;
	v41 =	vld [tilespmem:$0x8F50]  }
0x154: {  	v16 =	vld [tilespmem:$0x8070]  }
0x155: {  	[tilespmem:$0x1FD10] =	vst v20;
	v20 =	vld [tilespmem:$0x8960]  }
0x156: {  	[tilespmem:$0x1FF20] =	vst v61;
	v61 =	vld [tilespmem:$0x8680]  }
0x157: {  	[tilespmem:$0x1FC50] =	vst v51;
	v5 =	vadd.f32 v3, v5;
	v3 =	vld [tilespmem:$0x1FC40]  }
0x158: {  	[tilespmem:$0x1FD90] =	vst v29;
	v29 =	vld [tilespmem:$0x8060]  }
0x159: {  	[tilespmem:$0x1FD50] =	vst v25;
	v25 =	vld [tilespmem:$0x8A60]  }
0x15a: {  	[tilespmem:$0x1FD40] =	vst v20;
	v20 =	vld [tilespmem:$0x8170]  }
0x15b: {  	[tilespmem:$0x1FF30] =	vst v61;
	v61 =	vld [tilespmem:$0x8880]  }
0x15c: {  	v4 =	vadd.f32 v3, v4;
	v3 =	vld [tilespmem:$0x1FC50]  }
0x15d: {  	[tilespmem:$0x1FE10] =	vst v35;
	v35 =	vld [tilespmem:$0x8160]  }
0x15e: {  	[tilespmem:$0x1FE90] =	vst v41;
	v41 =	vld [tilespmem:$0x8260]  }
0x15f: {  	v43 =	vld [tilespmem:$0x8560];
	[tilespmem:$0x1FD80] =	vst v25;
	v62 =	vadd.f32 $0.0e+00, v16  }
0x160: {  	v25 =	vld [tilespmem:$0x8270];
	[tilespmem:$0x1FF50] =	vst v61;
	v61 =	vadd.f32 $0.0e+00, v29  }
0x161: {  	v9 =	vadd.f32 v20, v62;
	v20 =	vadd.f32 v3, v5;
	v3 =	vld [tilespmem:$0x1FC60]  }
0x162: {  	v47 =	vld [tilespmem:$0x8360]  }
0x163: {  	v6 =	vadd.f32 v35, v61  }
0x164: {  	[tilespmem:$0x1FC80] =	vst v56;
	v56 =	vld [tilespmem:$0x8460]  }
0x165: {  	[tilespmem:$0x1FC70] =	vst v43;
	v6 =	vadd.f32 v41, v6  }
0x166: {  	v9 =	vadd.f32 v25, v9;
	v25 =	vadd.f32 v3, v4;
	v3 =	vld [tilespmem:$0x1FC70]  }
0x167: {  	v6 =	vadd.f32 v47, v6;
	_ =	sdelay $0x1  }
0x168: {  	v63 =	vadd.f32 v56, v6  }
0x169: {  	v58 =	vld [tilespmem:$0x8740]  }
0x16a: {  	v11 =	vadd.f32 v3, v63;
	v3 =	vld [tilespmem:$0x1FC80];
	_ =	sdelay $0x3  }
0x16b: {  	[tilespmem:$0x1FC90] =	vst v58;
	v51 =	vld [tilespmem:$0x8660]  }
0x16c: {  	v16 =	vadd.f32 v3, v20;
	v3 =	vld [tilespmem:$0x1FC90];
	_ =	sdelay $0x3  }
0x16d: {  	v58 =	vld [tilespmem:$0x8750];
	[tilespmem:$0x1FCA0] =	vst v51  }
0x16e: {  	v17 =	vadd.f32 v3, v25;
	v3 =	vld [tilespmem:$0x1FCA0];
	_ =	sdelay $0x3  }
0x16f: {  	[tilespmem:$0x1FCB0] =	vst v58  }
0x170: {  	v11 =	vadd.f32 v3, v11;
	v3 =	vld [tilespmem:$0x1FCB0];
	_ =	sdelay $0x3  }
0x171: {  	v58 =	vld [tilespmem:$0x8760]  }
0x172: {  	v16 =	vadd.f32 v3, v16;
	v3 =	vld [tilespmem:$0x1FCC0];
	_ =	sdelay $0x3  }
0x173: {  	v32 =	vld [tilespmem:$0x8C40];
	[tilespmem:$0x1FCD0] =	vst v58  }
0x174: {  	v17 =	vadd.f32 v3, v17;
	v3 =	vld [tilespmem:$0x1FCD0];
	_ =	sdelay $0x1  }
0x175: {  	v37 =	vld [tilespmem:$0x8E40];
	_ =	sdelay $0x1  }
0x176: {  	[tilespmem:$0x1FDB0] =	vst v32;
	v32 =	vld [tilespmem:$0x8C50]  }
0x177: {  	v11 =	vadd.f32 v3, v11;
	v3 =	vld [tilespmem:$0x1FCE0];
	_ =	sdelay $0x1  }
0x178: {  	[tilespmem:$0x1FE30] =	vst v37;
	v37 =	vld [tilespmem:$0x8E50];
	_ =	sdelay $0x1  }
0x179: {  	[tilespmem:$0x1FDD0] =	vst v32;
	v32 =	vld [tilespmem:$0x8B60]  }
0x17a: {  	v16 =	vadd.f32 v3, v16;
	v3 =	vld [tilespmem:$0x1FCF0];
	_ =	sdelay $0x1  }
0x17b: {  	[tilespmem:$0x1FE50] =	vst v37;
	v37 =	vld [tilespmem:$0x8C60]  }
0x17c: {  	v43 =	vld [tilespmem:$0x8D60]  }
0x17d: {  	[tilespmem:$0x1FDC0] =	vst v32;
	v32 =	vld [tilespmem:$0x8370]  }
0x17e: {  	v17 =	vadd.f32 v3, v17;
	v3 =	vld [tilespmem:$0x1FD00]  }
0x17f: {  	v51 =	vld [tilespmem:$0x8E60]  }
0x180: {  	[tilespmem:$0x1FE00] =	vst v37;
	v37 =	vld [tilespmem:$0x8470]  }
0x181: {  	v58 =	vld [tilespmem:$0x8F60]  }
0x182: {  	[tilespmem:$0x1FE40] =	vst v43;
	v43 =	vld [tilespmem:$0x8570]  }
0x183: {  	v9 =	vadd.f32 v32, v9;
	v11 =	vadd.f32 v3, v11;
	v3 =	vld [tilespmem:$0x1FD10]  }
0x184: {  	[tilespmem:$0x1FE80] =	vst v51;
	v51 =	vld [tilespmem:$0x8670]  }
0x185: {  	v9 =	vadd.f32 v37, v9  }
0x186: {  	[tilespmem:$0x1FEB0] =	vst v58;
	v58 =	vld [tilespmem:$0x8770]  }
0x187: {  	v9 =	vadd.f32 v43, v9  }
0x188: {  	v16 =	vadd.f32 v3, v16;
	v3 =	vld [tilespmem:$0x1FD20]  }
0x189: {  	v9 =	vadd.f32 v51, v9;
	_ =	sdelay $0x1  }
0x18a: {  	v9 =	vadd.f32 v58, v9;
	_ =	sdelay $0x1  }
0x18b: {  	v9 =	vadd.f32 v3, v9;
	v3 =	vld [tilespmem:$0x1FD30];
	_ =	sdelay $0x4  }
0x18c: {  	v17 =	vadd.f32 v3, v17;
	v3 =	vld [tilespmem:$0x1FD40];
	_ =	sdelay $0x4  }
0x18d: {  	v11 =	vadd.f32 v3, v11;
	v3 =	vld [tilespmem:$0x1FD50];
	_ =	sdelay $0x4  }
0x18e: {  	v16 =	vadd.f32 v3, v16;
	v3 =	vld [tilespmem:$0x1FD60];
	_ =	sdelay $0x4  }
0x18f: {  	v9 =	vadd.f32 v3, v9;
	v3 =	vld [tilespmem:$0x1FD70];
	_ =	sdelay $0x4  }
0x190: {  	v17 =	vadd.f32 v3, v17;
	v3 =	vld [tilespmem:$0x1FD80];
	_ =	sdelay $0x4  }
0x191: {  	v11 =	vadd.f32 v3, v11;
	v3 =	vld [tilespmem:$0x1FD90];
	_ =	sdelay $0x4  }
0x192: {  	v16 =	vadd.f32 v3, v16;
	v3 =	vld [tilespmem:$0x1FDA0];
	_ =	sdelay $0x4  }
0x193: {  	v9 =	vadd.f32 v3, v9;
	v3 =	vld [tilespmem:$0x1FDB0];
	_ =	sdelay $0x4  }
0x194: {  	v17 =	vadd.f32 v3, v17;
	v3 =	vld [tilespmem:$0x1FDC0];
	_ =	sdelay $0x4  }
0x195: {  	v11 =	vadd.f32 v3, v11;
	v3 =	vld [tilespmem:$0x1FDD0];
	_ =	sdelay $0x4  }
0x196: {  	v16 =	vadd.f32 v3, v16;
	v3 =	vld [tilespmem:$0x1FDE0];
	_ =	sdelay $0x4  }
0x197: {  	v9 =	vadd.f32 v3, v9;
	v3 =	vld [tilespmem:$0x1FDF0];
	_ =	sdelay $0x4  }
0x198: {  	v17 =	vadd.f32 v3, v17;
	v3 =	vld [tilespmem:$0x1FE00];
	_ =	sdelay $0x1  }
0x199: {  	v14 =	vld [tilespmem:$0x8980]  }
0x19a: {  	v19 =	vld [tilespmem:$0x8A80]  }
0x19b: {  	v10 =	vld [tilespmem:$0x8390]  }
0x19c: {  	v11 =	vadd.f32 v3, v11;
	v3 =	vld [tilespmem:$0x1FE10]  }
0x19d: {  	v24 =	vld [tilespmem:$0x8B80]  }
0x19e: {  	v31 =	vld [tilespmem:$0x8D80]  }
0x19f: {  	v39 =	vld [tilespmem:$0x8F80]  }
0x1a0: {  	v13 =	vld [tilespmem:$0x8CA0]  }
0x1a1: {  	v16 =	vadd.f32 v3, v16;
	v3 =	vld [tilespmem:$0x1FE20]  }
0x1a2: {  	[tilespmem:$0x1FF60] =	vst v14;
	v14 =	vld [tilespmem:$0x80A0]  }
0x1a3: {  	v8 =	vld [tilespmem:$0x8290]  }
0x1a4: {  	v36 =	vld [tilespmem:$0x8E80]  }
0x1a5: {  	v27 =	vld [tilespmem:$0x8F90]  }
0x1a6: {  	v9 =	vadd.f32 v3, v9;
	v3 =	vld [tilespmem:$0x1FE30]  }
0x1a7: {  	[tilespmem:$0x1FFC0] =	vst v39;
	v39 =	vld [tilespmem:$0x8790]  }
0x1a8: {  	[tilespmem:$0x1FF80] =	vst v24;
	v24 =	vld [tilespmem:$0x8E90]  }
0x1a9: {  	[tilespmem:$0x1FFA0] =	vst v31;
	v31 =	vld [tilespmem:$0x87A0]  }
0x1aa: {  	v42 =	vld [tilespmem:$0x8990]  }
0x1ab: {  	v17 =	vadd.f32 v3, v17;
	v3 =	vld [tilespmem:$0x1FE40]  }
0x1ac: {  	[tilespmem:$0x1FFB0] =	vst v36;
	v36 =	vld [tilespmem:$0x8690]  }
0x1ad: {  	v29 =	vld [tilespmem:$0x85A0]  }
0x1ae: {  	v12 =	vld [tilespmem:$0x8090]  }
0x1af: {  	v22 =	vld [tilespmem:$0x8C90]  }
0x1b0: {  	v11 =	vadd.f32 v3, v11;
	v3 =	vld [tilespmem:$0x1FE50]  }
0x1b1: {  	v7 =	vld [tilespmem:$0x8190]  }
0x1b2: {  	v21 =	vld [tilespmem:$0x8AA0]  }
0x1b3: {  	v45 =	vld [tilespmem:$0x8890]  }
0x1b4: {  	v26 =	vld [tilespmem:$0x89A0]  }
0x1b5: {  	v16 =	vadd.f32 v3, v16;
	v3 =	vld [tilespmem:$0x1FE60]  }
0x1b6: {  	v49 =	vld [tilespmem:$0x83A0]  }
0x1b7: {  	v12 =	vadd.f32 $0.0e+00, v12;
	v33 =	vld [tilespmem:$0x88A0]  }
0x1b8: {  	v15 =	vld [tilespmem:$0x8490]  }
0x1b9: {  	v7 =	vadd.f32 v7, v12;
	v38 =	vld [tilespmem:$0x8590]  }
0x1ba: {  	v9 =	vadd.f32 v3, v9;
	v3 =	vld [tilespmem:$0x1FE70]  }
0x1bb: {  	v7 =	vadd.f32 v8, v7;
	v44 =	vld [tilespmem:$0x8A90]  }
0x1bc: {  	v18 =	vld [tilespmem:$0x8BA0]  }
0x1bd: {  	v7 =	vadd.f32 v10, v7;
	v10 =	vld [tilespmem:$0x8DC0]  }
0x1be: {  	v23 =	vld [tilespmem:$0x8D90]  }
0x1bf: {  	v17 =	vadd.f32 v3, v17;
	v3 =	vld [tilespmem:$0x1FE80]  }
0x1c0: {  	v52 =	vld [tilespmem:$0x89B0]  }
0x1c1: {  	v53 =	vld [tilespmem:$0x8AB0]  }
0x1c2: {  	v7 =	vadd.f32 v15, v7;
	v15 =	vld [tilespmem:$0x8EC0]  }
0x1c3: {  	v40 =	vld [tilespmem:$0x81A0]  }
0x1c4: {  	v28 =	vadd.f32 v3, v11;
	v3 =	vld [tilespmem:$0x1FE90]  }
0x1c5: {  	v46 =	vld [tilespmem:$0x84A0]  }
0x1c6: {  	v48 =	vld [tilespmem:$0x82A0]  }
0x1c7: {  	v14 =	vadd.f32 $0.0e+00, v14;
	v38 =	vadd.f32 v38, v7;
	v7 =	vld [tilespmem:$0x8FC0]  }
0x1c8: {  	v34 =	vld [tilespmem:$0x8B90]  }
0x1c9: {  	v14 =	vadd.f32 v40, v14;
	v11 =	vadd.f32 v3, v16;
	v3 =	vld [tilespmem:$0x1FEA0]  }
0x1ca: {  	v40 =	vld [tilespmem:$0x87C0]  }
0x1cb: {  	v14 =	vadd.f32 v48, v14;
	v48 =	vld [tilespmem:$0x1FF10]  }
0x1cc: {  	v62 =	vld [tilespmem:$0x83C0]  }
0x1cd: {  	v32 =	vld [tilespmem:$0x82B0]  }
0x1ce: {  	v9 =	vadd.f32 v3, v9;
	v3 =	vld [tilespmem:$0x1FEB0]  }
0x1cf: {  	v37 =	vld [tilespmem:$0x84B0]  }
0x1d0: {  	v43 =	vld [tilespmem:$0x86B0]  }
0x1d1: {  	v51 =	vld [tilespmem:$0x88B0]  }
0x1d2: {  	v58 =	vld [tilespmem:$0x8FB0]  }
0x1d3: {  	[tilespmem:$0x1FF70] =	vst v19;
	v19 =	vadd.f32 v3, v28;
	v3 =	vld [tilespmem:$0x1FEC0]  }
0x1d4: {  	v50 =	vld [tilespmem:$0x86A0]  }
0x1d5: {  	v60 =	vld [tilespmem:$0x81C0]  }
0x1d6: {  	v57 =	vld [tilespmem:$0x8EB0]  }
0x1d7: {  	v35 =	vld [tilespmem:$0x83B0]  }
0x1d8: {  	v28 =	vadd.f32 $0.0e+00, v3;
	v3 =	vld [tilespmem:$0x1FED0]  }
0x1d9: {  	v61 =	vld [tilespmem:$0x82C0]  }
0x1da: {  	v41 =	vld [tilespmem:$0x85B0]  }
0x1db: {  	v47 =	vld [tilespmem:$0x87B0]  }
0x1dc: {  	v6 =	vld [tilespmem:$0x8DA0]  }
0x1dd: {  	v9 =	vadd.f32 v3, v9;
	v3 =	vld [tilespmem:$0x1FEE0]  }
0x1de: {  	v56 =	vld [tilespmem:$0x8DB0]  }
0x1df: {  	v54 =	vld [tilespmem:$0x8BB0]  }
0x1e0: {  	v55 =	vld [tilespmem:$0x8CB0]  }
0x1e1: {  	v59 =	vld [tilespmem:$0x80C0]  }
0x1e2: {  	v16 =	vadd.f32 v3, v28;
	v28 =	vld [tilespmem:$0x1FEF0]  }
0x1e3: {  	v20 =	vld [tilespmem:$0x80B0]  }
0x1e4: {  	v5 =	vld [tilespmem:$0x8EA0]  }
0x1e5: {  	v25 =	vld [tilespmem:$0x81B0]  }
0x1e6: {  	v4 =	vld [tilespmem:$0x8FA0]  }
0x1e7: {  	v16 =	vadd.f32 v28, v16;
	v28 =	vld [tilespmem:$0x1FF00]  }
0x1e8: {  	v63 =	vld [tilespmem:$0x84C0];
	v12 =	vadd.f32 $0.0e+00, v20  }
0x1e9: {  	v20 =	vld [tilespmem:$0x86C0]  }
0x1ea: {  	v8 =	vadd.f32 v25, v12;
	v25 =	vld [tilespmem:$0x88C0]  }
0x1eb: {  	v12 =	vld [tilespmem:$0x89C0]  }
0x1ec: {  	v3 =	vld [tilespmem:$0x85C0];
	v16 =	vadd.f32 v28, v16  }
0x1ed: {  	v28 =	vadd.f32 v32, v8;
	v8 =	vld [tilespmem:$0x8AC0]  }
0x1ee: {  	v32 =	vadd.f32 v48, v16;
	v16 =	vld [tilespmem:$0x8BC0]  }
0x1ef: {  	v48 =	vadd.f32 v49, v14;
	v14 =	vld [tilespmem:$0x8CC0]  }
0x1f0: {  	v28 =	vadd.f32 v35, v28;
	v35 =	vld [tilespmem:$0x1FF20]  }
0x1f1: {  	v49 =	vadd.f32 v36, v38;
	v38 =	vld [tilespmem:$0x81D0]  }
0x1f2: {  	v46 =	vadd.f32 v46, v48;
	v37 =	vadd.f32 v37, v28;
	v48 =	vld [tilespmem:$0x1FF30]  }
0x1f3: {  	v28 =	vld [tilespmem:$0x1FF80]  }
0x1f4: {  	v29 =	vadd.f32 v29, v46;
	v46 =	vadd.f32 v41, v37;
	v37 =	vld [tilespmem:$0x80D0]  }
0x1f5: {  	v41 =	vld [tilespmem:$0x84D0]  }
0x1f6: {  	v32 =	vadd.f32 v35, v32;
	v35 =	vadd.f32 v39, v49;
	v39 =	vld [tilespmem:$0x82D0]  }
0x1f7: {  	v49 =	vld [tilespmem:$0x1FF50]  }
0x1f8: {  	v29 =	vadd.f32 v50, v29;
	v50 =	vld [tilespmem:$0x1FF60]  }
0x1f9: {  	v36 =	vadd.f32 v43, v46;
	v43 =	vld [tilespmem:$0x88D0]  }
0x1fa: {  	v46 =	vld [tilespmem:$0x1FFD0]  }
0x1fb: {  	v32 =	vadd.f32 v48, v32;
	v48 =	vld [tilespmem:$0x1FF40]  }
0x1fc: {  	v35 =	vadd.f32 v45, v35;
	v45 =	vld [tilespmem:$0x8BF0]  }
0x1fd: {  	v29 =	vadd.f32 v31, v29;
	v31 =	vld [tilespmem:$0x83D0]  }
0x1fe: {  	v36 =	vadd.f32 v47, v36;
	v35 =	vadd.f32 v42, v35;
	v42 =	vld [tilespmem:$0x86D0]  }
0x1ff: {  	v29 =	vadd.f32 v33, v29;
	v33 =	vld [tilespmem:$0x85D0]  }
0x200: {  	v37 =	vadd.f32 $0.0e+00, v37;
	v36 =	vadd.f32 v51, v36;
	v51 =	vld [tilespmem:$0x1FF70]  }
0x201: {  	v35 =	vadd.f32 v44, v35;
	v44 =	vld [tilespmem:$0x8BE0]  }
0x202: {  	v37 =	vadd.f32 v38, v37;
	v26 =	vadd.f32 v26, v29;
	v29 =	vld [tilespmem:$0x87D0]  }
0x203: {  	v34 =	vadd.f32 v34, v35;
	v35 =	vld [tilespmem:$0x8CD0]  }
0x204: {  	v36 =	vadd.f32 v52, v36;
	v37 =	vadd.f32 v39, v37;
	v39 =	vld [tilespmem:$0x88F0]  }
0x205: {  	v32 =	vadd.f32 v48, v32;
	v21 =	vadd.f32 v21, v26;
	v26 =	vld [tilespmem:$0x89D0]  }
0x206: {  	v48 =	vadd.f32 v53, v36;
	v36 =	vld [tilespmem:$0x8AD0]  }
0x207: {  	v32 =	vadd.f32 v49, v32;
	v49 =	vld [tilespmem:$0x1FF90]  }
0x208: {  	v53 =	vld [tilespmem:$0x1FFB0];
	v22 =	vadd.f32 v22, v34  }
0x209: {  	v34 =	vld [tilespmem:$0x8ED0];
	v31 =	vadd.f32 v31, v37;
	v32 =	vadd.f32 v50, v32  }
0x20a: {  	v18 =	vadd.f32 v18, v21;
	v21 =	vld [tilespmem:$0x8BD0];
	v50 =	vadd.f32 v54, v48  }
0x20b: {  	v54 =	vld [tilespmem:$0x80E0];
	v31 =	vadd.f32 v41, v31  }
0x20c: {  	v41 =	vld [tilespmem:$0x89F0];
	v32 =	vadd.f32 v51, v32;
	v52 =	vadd.f32 v55, v50  }
0x20d: {  	v22 =	vadd.f32 v23, v22;
	v51 =	vld [tilespmem:$0x1FFA0];
	v13 =	vadd.f32 v13, v18  }
0x20e: {  	v55 =	vld [tilespmem:$0x1FFC0];
	v32 =	vadd.f32 v28, v32;
	v23 =	vadd.f32 v56, v52  }
0x20f: {  	v48 =	vadd.f32 $0.0e+00, v59;
	v6 =	vadd.f32 v6, v13;
	v56 =	vld [tilespmem:$0x80F0]  }
0x210: {  	v32 =	vadd.f32 v49, v32;
	v23 =	vadd.f32 v57, v23;
	v57 =	vld [tilespmem:$0x81E0]  }
0x211: {  	v22 =	vadd.f32 v24, v22;
	v5 =	vadd.f32 v5, v6;
	v49 =	vld [tilespmem:$0x81F0]  }
0x212: {  	v50 =	vld [tilespmem:$0x82E0];
	v24 =	vadd.f32 $0.0e+00, v54;
	v32 =	vadd.f32 v51, v32  }
0x213: {  	v4 =	vadd.f32 v4, v5;
	v5 =	vadd.f32 v60, v48;
	v51 =	vld [tilespmem:$0x82F0]  }
0x214: {  	v52 =	vld [tilespmem:$0x83E0];
	v6 =	vadd.f32 $0.0e+00, v56;
	v32 =	vadd.f32 v53, v32  }
0x215: {  	v5 =	vadd.f32 v61, v5;
	v53 =	vld [tilespmem:$0x83F0];
	v24 =	vadd.f32 v57, v24  }
0x216: {  	v54 =	vld [tilespmem:$0x84E0];
	v6 =	vadd.f32 v49, v6;
	v32 =	vadd.f32 v55, v32  }
0x217: {  	v5 =	vadd.f32 v62, v5;
	v55 =	vld [tilespmem:$0x84F0];
	v24 =	vadd.f32 v50, v24  }
0x218: {  	v31 =	vadd.f32 v33, v31;
	v56 =	vld [tilespmem:$0x85E0];
	v6 =	vadd.f32 v51, v6  }
0x219: {  	v57 =	vld [tilespmem:$0x85F0];
	v5 =	vadd.f32 v63, v5;
	v24 =	vadd.f32 v52, v24  }
0x21a: {  	v23 =	vadd.f32 v58, v23;
	v58 =	vld [tilespmem:$0x86E0];
	v6 =	vadd.f32 v53, v6  }
0x21b: {  	v60 =	vld [tilespmem:$0x86F0];
	v3 =	vadd.f32 v3, v5;
	v59 =	vadd.f32 v54, v24  }
0x21c: {  	v22 =	vadd.f32 v27, v22;
	v61 =	vld [tilespmem:$0x87E0];
	v6 =	vadd.f32 v55, v6  }
0x21d: {  	v62 =	vld [tilespmem:$0x87F0];
	v3 =	vadd.f32 v20, v3;
	v5 =	vadd.f32 v56, v59  }
0x21e: {  	v31 =	vadd.f32 v42, v31;
	v63 =	vld [tilespmem:$0x88E0];
	v6 =	vadd.f32 v57, v6  }
0x21f: {  	v18 =	vld [tilespmem:$0x8DD0];
	v3 =	vadd.f32 v40, v3;
	v5 =	vadd.f32 v58, v5  }
0x220: {  	v29 =	vadd.f32 v29, v31;
	v40 =	vld [tilespmem:$0x89E0];
	v6 =	vadd.f32 v60, v6  }
0x221: {  	v13 =	vld [tilespmem:$0x8FD0];
	v3 =	vadd.f32 v25, v3;
	v5 =	vadd.f32 v61, v5  }
0x222: {  	v42 =	vld [tilespmem:$0x8AE0];
	v29 =	vadd.f32 v43, v29;
	v6 =	vadd.f32 v62, v6  }
0x223: {  	v43 =	vld [tilespmem:$0x8AF0];
	v3 =	vadd.f32 v12, v3;
	v5 =	vadd.f32 v63, v5  }
0x224: {  	v48 =	vld [tilespmem:$0x8CE0];
	v26 =	vadd.f32 v26, v29;
	v6 =	vadd.f32 v39, v6  }
0x225: {  	[tilespmem:$0x9000] =	vst v30;
	v49 =	vld [tilespmem:$0x1FFE0];
	v3 =	vadd.f32 v8, v3;
	v5 =	vadd.f32 v40, v5  }
0x226: {  	[tilespmem:$0x9040] =	vst v17;
	v47 =	vadd.f32 v36, v26;
	v50 =	vld [tilespmem:$0x8CF0];
	v6 =	vadd.f32 v41, v6  }
0x227: {  	[tilespmem:$0x9050] =	vst v11;
	v51 =	vld [tilespmem:$0x1FFF0];
	v3 =	vadd.f32 v16, v3;
	v5 =	vadd.f32 v42, v5  }
0x228: {  	[tilespmem:$0x9060] =	vst v19;
	v52 =	vadd.f32 v21, v47;
	v53 =	vld [tilespmem:$0x8DE0];
	v6 =	vadd.f32 v43, v6  }
0x229: {  	[tilespmem:$0x9070] =	vst v9;
	v54 =	vld [tilespmem:$0x8DF0];
	v3 =	vadd.f32 v14, v3;
	v5 =	vadd.f32 v44, v5  }
0x22a: {  	[tilespmem:$0x9010] =	vst v46;
	v55 =	vadd.f32 v35, v52;
	v56 =	vld [tilespmem:$0x8EE0];
	v6 =	vadd.f32 v45, v6  }
0x22b: {  	[tilespmem:$0x9090] =	vst v22;
	v57 =	vld [tilespmem:$0x8EF0];
	v3 =	vadd.f32 v10, v3;
	v5 =	vadd.f32 v48, v5  }
0x22c: {  	[tilespmem:$0x90A0] =	vst v4;
	v59 =	vld [tilespmem:$0x8FE0];
	v58 =	vadd.f32 v18, v55;
	v6 =	vadd.f32 v50, v6  }
0x22d: {  	[tilespmem:$0x90B0] =	vst v23;
	v60 =	vld [tilespmem:$0x8FF0];
	v3 =	vadd.f32 v15, v3;
	v5 =	vadd.f32 v53, v5  }
0x22e: {  	[tilespmem:$0x9080] =	vst v32;
	v9 =	vadd.f32 v34, v58;
	v6 =	vadd.f32 v54, v6  }
0x22f: {  	[tilespmem:$0x9020] =	vst v49;
	v3 =	vadd.f32 v7, v3;
	v61 =	vadd.f32 v56, v5  }
0x230: {  	[tilespmem:$0x9030] =	vst v51;
	v62 =	vadd.f32 v13, v9;
	v6 =	vadd.f32 v57, v6  }
0x231: {  	[tilespmem:$0x90C0] =	vst v3;
	v3 =	vadd.f32 v59, v61  }
0x232: {  	s21 =	sadd.s32 $0x1, s21;
	[tilespmem:$0x90D0] =	vst v62;
	v63 =	vadd.f32 v60, v6  }
0x233: {  	p0 =	sne.s32 s21, s8;
	[tilespmem:$0x90E0] =	vst v3  }
.Ltmp3:
0x234: {  	[tilespmem:$0x90F0] =	vst v63;
	(pc) =	sbr.rel @p0 .LBB2_1-.Ltmp3, $4  }
0x235: {  	[hbm4b:s7+s17] =	stream.strided.scatter [tilespmem:s19], [sflag:$0x5], $0x100, s18, s17, $0x38;
	[tilespmem:$0x9100] =	vst v63  }
0x236: {  	_ =	swait.ge [sflag:s20], $0x100  }
0x237: {  	[sflag:s20] =	ssyncset.done $0x0  }
0x238: {  	[sflag:s20] =	ssyncadd.s32 $0xFFFFFF00  }
0x239: {  	_ =	sfence.sel $0x180000  }
0x23a: {  	[bflag:$0x0] =	sbarrier.arrive $0xFFFF  }
0x23b: {  	p0 =	sne.s32 s1, $0x0;
	_ =	strace $0x90000047  }
0x23c: {  	s0 =	sadd.s32 @!p0 $0x100000, s0;
	[bflag:$0x2] =	sbarrier.arrive $0xFFFF  }
0x23d: {  	[sflag:s0] =	ssyncadd.tile.s32 @!p0 $0x1;
	_ =	shalt  }
.Lfunc_end2:
_tile_overlayer_lowered:
.L_overlay_start_2:
0x23e: {  	(tag) =	ssettag $0x2  }
0x23f: {  	s0 =	rddreg [dreg:$0x0];
	s2 =	stileid.u32  }
0x240: {  	s1 =	rddreg [dreg:$0x1];
	p0 =	sne.s32 s2, $0x0  }
0x241: {  	s3 =	rddreg [dreg:$0x2];
	[bflag:$0x3] =	sbarrier.arrive $0xFFFF;
	s2 =	simm.s32 @!p0 $0x1C05  }
0x242: {  	[timem:s3], [sflag:s2] =	dma.local @!p0 [hbm:s0], s1  }
0x243: {  	s0 =	simm.s32 @!p0 $0x5  }
0x244: {  	_ =	swait.ge @!p0 [sflag:s0], s1  }
0x245: {  	s1 =	ssub.s32 @!p0 $0x0, s1;
	[sflag:s0] =	ssyncset.done @!p0 $0x0  }
0x246: {  	[sflag:s0] =	ssyncadd.s32 @!p0 s1  }
0x247: {  	[bflag:$0x3] =	sbarrier.arrive $0xFFFF  }
0x248: {  	_ =	shalt  }

</sc_bundles>
